<compile_context>
chip_gen: v7x
topology: tpu7x:2x2x1
jax: 0.10.2.dev20260603
libtpu: 0.0.44.dev20260713+nightly
codegen_flags: <defaults>
</compile_context>

<pallas_src>
import functools
import math

import jax
import jax.numpy as jnp
from jax import lax
from jax.experimental import pallas as pl
from jax.experimental.pallas import tpu as pltpu
from jax.experimental.pallas import tpu_sc as plsc

_D = 64
_SCALE = math.sqrt(_D)


def _embed(idx, table):
    (B,) = idx.shape
    info = plsc.get_sparse_core_info()
    nw = info.num_cores * info.num_subcores
    b_per_w = B // nw
    chunk = 256
    n_chunks = b_per_w // chunk

    mesh = plsc.VectorSubcoreMesh(core_axis_name="c", subcore_axis_name="s")

    @functools.partial(
        pl.kernel,
        out_type=jax.ShapeDtypeStruct((B, _D), jnp.float32),
        mesh=mesh,
        scratch_types=[
            pltpu.VMEM((b_per_w,), jnp.int32),
            pltpu.VMEM((chunk, _D), jnp.float32),
            pltpu.VMEM((chunk, _D), jnp.float32),
            pltpu.SemaphoreType.DMA,
            pltpu.SemaphoreType.DMA,
            pltpu.SemaphoreType.DMA,
            pltpu.SemaphoreType.DMA,
        ],
        compiler_params=pltpu.CompilerParams(use_tc_tiling_on_sc=False),
    )
    def emb(idx_hbm, table_hbm, out_hbm, idx_v, rows0, rows1,
            gsem0, gsem1, ssem0, ssem1):
        wid = lax.axis_index("s") * info.num_cores + lax.axis_index("c")
        base = wid * b_per_w
        bufs = ((rows0, gsem0, ssem0), (rows1, gsem1, ssem1))

        def gather(c, rows, sem):
            return pltpu.make_async_copy(
                table_hbm.at[idx_v.at[pl.ds(c * chunk, chunk)]], rows, sem)

        def store(c, rows, sem):
            return pltpu.make_async_copy(
                rows, out_hbm.at[pl.ds(base + c * chunk, chunk)], sem)

        pltpu.sync_copy(idx_hbm.at[pl.ds(base, b_per_w)], idx_v)
        gather(0, rows0, gsem0).start()

        @pl.loop(0, n_chunks, step=2)
        def _(ci):
            for b in range(2):
                cur = ci + b
                rows, gsem, ssem = bufs[b]
                nrows, ngsem, nssem = bufs[1 - b]
                nxt = cur + 1

                @pl.when(nxt < n_chunks)
                def _():
                    @pl.when(nxt >= 2)
                    def _():
                        store(nxt - 2, nrows, nssem).wait()

                    gather(nxt, nrows, ngsem).start()

                gather(cur, rows, gsem).wait()

                def scale_row(r, c2):
                    for j in range(_D // 16):
                        sl = pl.ds(j * 16, 16)
                        rows[r, sl] = rows[r, sl] * _SCALE
                    return c2

                lax.fori_loop(0, chunk, scale_row, 0, unroll=4)
                store(cur, rows, ssem).start()

        store(n_chunks - 2, rows0, ssem0).wait()
        store(n_chunks - 1, rows1, ssem1).wait()

    return emb(idx, table)


def kernel(input, table):
    b, s = input.shape
    idx = input.reshape(b * s).astype(jnp.int32)
    h = (b // 2) * s
    o1 = _embed(idx[:h], table).reshape(b // 2, s, _D)
    o2 = _embed(idx[h:], table).reshape(b // 2, s, _D)
    return jnp.concatenate([o1, o2], axis=0)

# --- scband reference (transcript-rebuilt; emitter-appended) ---
"""Pipeline reference for scband-embedding-layer-61022895341642 (READ-ONLY COPY).

The authoritative reference and input builder live on the scoring server;
editing this copy changes nothing except your own understanding.
"""

import jax, jax.numpy as jnp
import numpy as np
import math

VOCAB_SIZE = 1000000
D_MODEL = 64

def setup_inputs(seed: int = 0) -> dict:
    key = jax.random.key(seed)
    k_idx, k_tab = jax.random.split(key)
    input = jax.random.randint(k_idx, (4096, 200), 0, VOCAB_SIZE, dtype=jnp.int64 if jax.config.jax_enable_x64 else jnp.int32)
    table = jax.random.normal(k_tab, (VOCAB_SIZE, D_MODEL), dtype=jnp.float32)
    return {"input": input, "table": table}

def reference(input, table):
    # nn.Embedding lookup followed by sqrt(d_model) scaling
    emb = jnp.take(table, input, axis=0)
    return emb * math.sqrt(D_MODEL)

if __name__ == "__main__":
    import jax
    _d = setup_inputs()
    print(jax.jit(kernel)(*tuple(_d.values())))

</pallas_src>

<mosaic_0001>
#map = affine_map<(d0, d1) -> (0)>
#map1 = affine_map<(d0, d1) -> (0, 0)>
module attributes {stable_mosaic.version = 14 : i64} {
  func.func @emb(%arg0: i32, %arg1: i32, %arg2: memref<409600xi32, #tpu.memory_space<hbm>>, %arg3: memref<1000000x64xf32, #tpu.memory_space<hbm>>, %arg4: memref<409600x64xf32, #tpu.memory_space<hbm>>, %arg5: memref<12800xi32, #tpu.memory_space<vmem>>, %arg6: memref<256x64xf32, #tpu.memory_space<vmem>>, %arg7: memref<256x64xf32, #tpu.memory_space<vmem>>, %arg8: memref<!tpu.dma_semaphore, #tpu.memory_space<semaphore_mem>>, %arg9: memref<!tpu.dma_semaphore, #tpu.memory_space<semaphore_mem>>, %arg10: memref<!tpu.dma_semaphore, #tpu.memory_space<semaphore_mem>>, %arg11: memref<!tpu.dma_semaphore, #tpu.memory_space<semaphore_mem>>) attributes {dimension_semantics = [#tpu.dimension_semantics<core_parallel>, #tpu.dimension_semantics<subcore_parallel>], iteration_bounds = array<i64: 2, 16>, scalar_prefetch = 0 : i64, scratch_operands = 7 : i64, tpu.core_type = #tpu.core_type<sc_vector_subcore>, window_params = [{transform_indices = #map}, {transform_indices = #map1}, {transform_indices = #map1}]} {
    %mul3A = arith.constant 2 : i32
    %mul3A_0 = arith.muli %arg1, %mul3A : i32
    %add3A = arith.addi %mul3A_0, %arg0 : i32
    %mul3A_1 = arith.constant 12800 : i32
    %mul3A_2 = arith.muli %add3A, %mul3A_1 : i32
    "tpu.region"() ({
      %run_scoped3A = tpu.sem_alloc : memref<!tpu.dma_semaphore, #tpu.memory_space<semaphore_mem>>
      %dma_start3A_22 = tpu.memref_slice %arg2[%mul3A_2] : memref<409600xi32, #tpu.memory_space<hbm>> -> memref<12800xi32, #tpu.memory_space<hbm>>
      %dma_start3A_23 = tpu.memref_slice %arg2[%mul3A_2] : memref<409600xi32, #tpu.memory_space<hbm>> -> memref<12800xi32, #tpu.memory_space<hbm>>
      tpu.enqueue_dma source(%dma_start3A_23 : memref<12800xi32, #tpu.memory_space<hbm>>) target(%arg5 : memref<12800xi32, #tpu.memory_space<vmem>>) target_semaphore(%run_scoped3A : memref<!tpu.dma_semaphore, #tpu.memory_space<semaphore_mem>>)
      %dma_wait3A_24 = tpu.memref_slice %arg2[%mul3A_2] : memref<409600xi32, #tpu.memory_space<hbm>> -> memref<12800xi32, #tpu.memory_space<hbm>>
      %dma_wait3A_25 = tpu.memref_slice %arg2[%mul3A_2] : memref<409600xi32, #tpu.memory_space<hbm>> -> memref<12800xi32, #tpu.memory_space<hbm>>
      tpu.wait_dma2 semaphore(%run_scoped3A : memref<!tpu.dma_semaphore, #tpu.memory_space<semaphore_mem>>) src(%dma_wait3A_25 : memref<12800xi32, #tpu.memory_space<hbm>>) dst(%arg5 : memref<12800xi32, #tpu.memory_space<vmem>>)
      tpu.yield
    }) : () -> ()
    %dma_start3A = arith.constant 0 : i32
    %dma_start3A_3 = tpu.memref_slice %arg5[%dma_start3A] : memref<12800xi32, #tpu.memory_space<vmem>> -> memref<256xi32, #tpu.memory_space<vmem>>
    %dma_start3A_4 = arith.constant 0 : i32
    %dma_start3A_5 = arith.constant 0 : i32
    %dma_start3A_6 = tpu.memref_slice %arg3[%dma_start3A_4, %dma_start3A_5] : memref<1000000x64xf32, #tpu.memory_space<hbm>> -> memref<1000000x64xf32, #tpu.memory_space<hbm>>
    tpu.enqueue_indirect_dma source(%dma_start3A_6 : memref<1000000x64xf32, #tpu.memory_space<hbm>>) target(%arg6 : memref<256x64xf32, #tpu.memory_space<vmem>>) offsets(%dma_start3A_3 : memref<256xi32, #tpu.memory_space<vmem>>) semaphore(%arg8 : memref<!tpu.dma_semaphore, #tpu.memory_space<semaphore_mem>>)
    %scan3A = arith.constant 0 : i32
    %scan3A_7 = arith.constant 25 : i32
    %scan3A_8 = arith.addi %scan3A, %scan3A_7 : i32
    %scan3A_9 = arith.constant 1 : i32
    scf.for %scan3A_22 = %scan3A to %scan3A_8 step %scan3A_9  : i32 {
      %mul3A_23 = arith.constant 2 : i32
      %mul3A_24 = arith.muli %scan3A_22, %mul3A_23 : i32
      %add3A_25 = arith.constant 0 : i32
      %add3A_26 = arith.addi %add3A_25, %mul3A_24 : i32
      %add3A_27 = arith.constant 0 : i32
      %add3A_28 = arith.addi %add3A_26, %add3A_27 : i32
      %add3A_29 = arith.constant 1 : i32
      %add3A_30 = arith.addi %add3A_28, %add3A_29 : i32
      %lt3A = arith.constant 50 : i32
      %lt3A_31 = arith.cmpi slt, %add3A_30, %lt3A : i32
      %convert_element_type3A = arith.extui %lt3A_31 : i1 to i32
      %cond3A = arith.constant 0 : i32
      %cond3A_32 = arith.cmpi ne, %convert_element_type3A, %cond3A : i32
      scf.if %cond3A_32 {
        %ge3A = arith.constant 2 : i32
        %ge3A_80 = arith.cmpi sge, %add3A_30, %ge3A : i32
        %convert_element_type3A_81 = arith.extui %ge3A_80 : i1 to i32
        %cond3A_82 = arith.constant 0 : i32
        %cond3A_83 = arith.cmpi ne, %convert_element_type3A_81, %cond3A_82 : i32
        scf.if %cond3A_83 {
          %sub3A = arith.constant 2 : i32
          %sub3A_90 = arith.subi %add3A_30, %sub3A : i32
          %mul3A_91 = arith.constant 256 : i32
          %mul3A_92 = arith.muli %sub3A_90, %mul3A_91 : i32
          %add3A_93 = arith.addi %mul3A_2, %mul3A_92 : i32
          %dma_wait3A_94 = arith.constant 0 : i32
          %dma_wait3A_95 = tpu.memref_slice %arg4[%add3A_93, %dma_wait3A_94] : memref<409600x64xf32, #tpu.memory_space<hbm>> -> memref<256x64xf32, #tpu.memory_space<hbm>>
          %dma_wait3A_96 = arith.constant 0 : i32
          %dma_wait3A_97 = tpu.memref_slice %arg4[%add3A_93, %dma_wait3A_96] : memref<409600x64xf32, #tpu.memory_space<hbm>> -> memref<256x64xf32, #tpu.memory_space<hbm>>
          tpu.wait_dma2 semaphore(%arg11 : memref<!tpu.dma_semaphore, #tpu.memory_space<semaphore_mem>>) src(%arg7 : memref<256x64xf32, #tpu.memory_space<vmem>>) dst(%dma_wait3A_97 : memref<256x64xf32, #tpu.memory_space<hbm>>)
        } else {
        }
        %mul3A_84 = arith.constant 256 : i32
        %mul3A_85 = arith.muli %add3A_30, %mul3A_84 : i32
        %dma_start3A_86 = tpu.memref_slice %arg5[%mul3A_85] : memref<12800xi32, #tpu.memory_space<vmem>> -> memref<256xi32, #tpu.memory_space<vmem>>
        %dma_start3A_87 = arith.constant 0 : i32
        %dma_start3A_88 = arith.constant 0 : i32
        %dma_start3A_89 = tpu.memref_slice %arg3[%dma_start3A_87, %dma_start3A_88] : memref<1000000x64xf32, #tpu.memory_space<hbm>> -> memref<1000000x64xf32, #tpu.memory_space<hbm>>
        tpu.enqueue_indirect_dma source(%dma_start3A_89 : memref<1000000x64xf32, #tpu.memory_space<hbm>>) target(%arg7 : memref<256x64xf32, #tpu.memory_space<vmem>>) offsets(%dma_start3A_86 : memref<256xi32, #tpu.memory_space<vmem>>) semaphore(%arg9 : memref<!tpu.dma_semaphore, #tpu.memory_space<semaphore_mem>>)
      } else {
      }
      %mul3A_33 = arith.constant 256 : i32
      %mul3A_34 = arith.muli %add3A_28, %mul3A_33 : i32
      %dma_wait3A_35 = tpu.memref_slice %arg5[%mul3A_34] : memref<12800xi32, #tpu.memory_space<vmem>> -> memref<256xi32, #tpu.memory_space<vmem>>
      %dma_wait3A_36 = arith.constant 0 : i32
      %dma_wait3A_37 = arith.constant 0 : i32
      %dma_wait3A_38 = tpu.memref_slice %arg3[%dma_wait3A_36, %dma_wait3A_37] : memref<1000000x64xf32, #tpu.memory_space<hbm>> -> memref<1000000x64xf32, #tpu.memory_space<hbm>>
      tpu.wait_indirect_dma semaphore(%arg8 : memref<!tpu.dma_semaphore, #tpu.memory_space<semaphore_mem>>) src(%dma_wait3A_38 : memref<1000000x64xf32, #tpu.memory_space<hbm>>) dst(%arg6 : memref<256x64xf32, #tpu.memory_space<vmem>>)
      %scan3A_39 = arith.constant 0 : i32
      %scan3A_40 = arith.constant 0 : i32
      %scan3A_41 = arith.constant 256 : i32
      %scan3A_42 = arith.addi %scan3A_40, %scan3A_41 : i32
      %scan3A_43 = arith.constant 4 : i32
      scf.for %scan3A_80 = %scan3A_40 to %scan3A_42 step %scan3A_43  : i32 {
        %get3A = arith.index_cast %scan3A_80 : i32 to index
        %get3A_81 = arith.constant 0 : index
        %get3A_82 = tpu.vector_load %arg6[%get3A, %get3A_81] {strides = array<i32>} : memref<256x64xf32, #tpu.memory_space<vmem>>, vector<1x16xf32>,
        %get3A_83 = vector.shape_cast %get3A_82 : vector<1x16xf32> to vector<16xf32>
        %mul3A_84 = arith.constant 8.000000e+00 : f32
        %mul3A_85 = vector.broadcast %mul3A_84 : f32 to vector<16xf32>
        %mul3A_86 = arith.mulf %get3A_83, %mul3A_85 : vector<16xf32>
        %swap3A = arith.index_cast %scan3A_80 : i32 to index
        %swap3A_87 = arith.constant 0 : index
        %swap3A_88 = tpu.vector_load %arg6[%swap3A, %swap3A_87] {strides = array<i32>} : memref<256x64xf32, #tpu.memory_space<vmem>>, vector<1x16xf32>,
        %swap3A_89 = vector.shape_cast %swap3A_88 : vector<1x16xf32> to vector<16xf32>
        %swap3A_90 = vector.shape_cast %mul3A_86 : vector<16xf32> to vector<1x16xf32>
        tpu.vector_store %arg6[%swap3A, %swap3A_87], %swap3A_90 {strides = array<i32>} : memref<256x64xf32, #tpu.memory_space<vmem>>, vector<1x16xf32>,
        %get3A_91 = arith.index_cast %scan3A_80 : i32 to index
        %get3A_92 = arith.constant 16 : index
        %get3A_93 = tpu.vector_load %arg6[%get3A_91, %get3A_92] {strides = array<i32>} : memref<256x64xf32, #tpu.memory_space<vmem>>, vector<1x16xf32>,
        %get3A_94 = vector.shape_cast %get3A_93 : vector<1x16xf32> to vector<16xf32>
        %mul3A_95 = arith.constant 8.000000e+00 : f32
        %mul3A_96 = vector.broadcast %mul3A_95 : f32 to vector<16xf32>
        %mul3A_97 = arith.mulf %get3A_94, %mul3A_96 : vector<16xf32>
        %swap3A_98 = arith.index_cast %scan3A_80 : i32 to index
        %swap3A_99 = arith.constant 16 : index
        %swap3A_100 = tpu.vector_load %arg6[%swap3A_98, %swap3A_99] {strides = array<i32>} : memref<256x64xf32, #tpu.memory_space<vmem>>, vector<1x16xf32>,
        %swap3A_101 = vector.shape_cast %swap3A_100 : vector<1x16xf32> to vector<16xf32>
        %swap3A_102 = vector.shape_cast %mul3A_97 : vector<16xf32> to vector<1x16xf32>
        tpu.vector_store %arg6[%swap3A_98, %swap3A_99], %swap3A_102 {strides = array<i32>} : memref<256x64xf32, #tpu.memory_space<vmem>>, vector<1x16xf32>,
        %get3A_103 = arith.index_cast %scan3A_80 : i32 to index
        %get3A_104 = arith.constant 32 : index
        %get3A_105 = tpu.vector_load %arg6[%get3A_103, %get3A_104] {strides = array<i32>} : memref<256x64xf32, #tpu.memory_space<vmem>>, vector<1x16xf32>,
        %get3A_106 = vector.shape_cast %get3A_105 : vector<1x16xf32> to vector<16xf32>
        %mul3A_107 = arith.constant 8.000000e+00 : f32
        %mul3A_108 = vector.broadcast %mul3A_107 : f32 to vector<16xf32>
        %mul3A_109 = arith.mulf %get3A_106, %mul3A_108 : vector<16xf32>
        %swap3A_110 = arith.index_cast %scan3A_80 : i32 to index
        %swap3A_111 = arith.constant 32 : index
        %swap3A_112 = tpu.vector_load %arg6[%swap3A_110, %swap3A_111] {strides = array<i32>} : memref<256x64xf32, #tpu.memory_space<vmem>>, vector<1x16xf32>,
        %swap3A_113 = vector.shape_cast %swap3A_112 : vector<1x16xf32> to vector<16xf32>
        %swap3A_114 = vector.shape_cast %mul3A_109 : vector<16xf32> to vector<1x16xf32>
        tpu.vector_store %arg6[%swap3A_110, %swap3A_111], %swap3A_114 {strides = array<i32>} : memref<256x64xf32, #tpu.memory_space<vmem>>, vector<1x16xf32>,
        %get3A_115 = arith.index_cast %scan3A_80 : i32 to index
        %get3A_116 = arith.constant 48 : index
        %get3A_117 = tpu.vector_load %arg6[%get3A_115, %get3A_116] {strides = array<i32>} : memref<256x64xf32, #tpu.memory_space<vmem>>, vector<1x16xf32>,
        %get3A_118 = vector.shape_cast %get3A_117 : vector<1x16xf32> to vector<16xf32>
        %mul3A_119 = arith.constant 8.000000e+00 : f32
        %mul3A_120 = vector.broadcast %mul3A_119 : f32 to vector<16xf32>
        %mul3A_121 = arith.mulf %get3A_118, %mul3A_120 : vector<16xf32>
        %swap3A_122 = arith.index_cast %scan3A_80 : i32 to index
        %swap3A_123 = arith.constant 48 : index
        %swap3A_124 = tpu.vector_load %arg6[%swap3A_122, %swap3A_123] {strides = array<i32>} : memref<256x64xf32, #tpu.memory_space<vmem>>, vector<1x16xf32>,
        %swap3A_125 = vector.shape_cast %swap3A_124 : vector<1x16xf32> to vector<16xf32>
        %swap3A_126 = vector.shape_cast %mul3A_121 : vector<16xf32> to vector<1x16xf32>
        tpu.vector_store %arg6[%swap3A_122, %swap3A_123], %swap3A_126 {strides = array<i32>} : memref<256x64xf32, #tpu.memory_space<vmem>>, vector<1x16xf32>,
        %scan3A_127 = arith.constant 1 : i32
        %scan3A_128 = arith.addi %scan3A_80, %scan3A_127 : i32
        %get3A_129 = arith.index_cast %scan3A_128 : i32 to index
        %get3A_130 = arith.constant 0 : index
        %get3A_131 = tpu.vector_load %arg6[%get3A_129, %get3A_130] {strides = array<i32>} : memref<256x64xf32, #tpu.memory_space<vmem>>, vector<1x16xf32>,
        %get3A_132 = vector.shape_cast %get3A_131 : vector<1x16xf32> to vector<16xf32>
        %mul3A_133 = arith.constant 8.000000e+00 : f32
        %mul3A_134 = vector.broadcast %mul3A_133 : f32 to vector<16xf32>
        %mul3A_135 = arith.mulf %get3A_132, %mul3A_134 : vector<16xf32>
        %swap3A_136 = arith.index_cast %scan3A_128 : i32 to index
        %swap3A_137 = arith.constant 0 : index
        %swap3A_138 = tpu.vector_load %arg6[%swap3A_136, %swap3A_137] {strides = array<i32>} : memref<256x64xf32, #tpu.memory_space<vmem>>, vector<1x16xf32>,
        %swap3A_139 = vector.shape_cast %swap3A_138 : vector<1x16xf32> to vector<16xf32>
        %swap3A_140 = vector.shape_cast %mul3A_135 : vector<16xf32> to vector<1x16xf32>
        tpu.vector_store %arg6[%swap3A_136, %swap3A_137], %swap3A_140 {strides = array<i32>} : memref<256x64xf32, #tpu.memory_space<vmem>>, vector<1x16xf32>,
        %get3A_141 = arith.index_cast %scan3A_128 : i32 to index
        %get3A_142 = arith.constant 16 : index
        %get3A_143 = tpu.vector_load %arg6[%get3A_141, %get3A_142] {strides = array<i32>} : memref<256x64xf32, #tpu.memory_space<vmem>>, vector<1x16xf32>,
        %get3A_144 = vector.shape_cast %get3A_143 : vector<1x16xf32> to vector<16xf32>
        %mul3A_145 = arith.constant 8.000000e+00 : f32
        %mul3A_146 = vector.broadcast %mul3A_145 : f32 to vector<16xf32>
        %mul3A_147 = arith.mulf %get3A_144, %mul3A_146 : vector<16xf32>
        %swap3A_148 = arith.index_cast %scan3A_128 : i32 to index
        %swap3A_149 = arith.constant 16 : index
        %swap3A_150 = tpu.vector_load %arg6[%swap3A_148, %swap3A_149] {strides = array<i32>} : memref<256x64xf32, #tpu.memory_space<vmem>>, vector<1x16xf32>,
        %swap3A_151 = vector.shape_cast %swap3A_150 : vector<1x16xf32> to vector<16xf32>
        %swap3A_152 = vector.shape_cast %mul3A_147 : vector<16xf32> to vector<1x16xf32>
        tpu.vector_store %arg6[%swap3A_148, %swap3A_149], %swap3A_152 {strides = array<i32>} : memref<256x64xf32, #tpu.memory_space<vmem>>, vector<1x16xf32>,
        %get3A_153 = arith.index_cast %scan3A_128 : i32 to index
        %get3A_154 = arith.constant 32 : index
        %get3A_155 = tpu.vector_load %arg6[%get3A_153, %get3A_154] {strides = array<i32>} : memref<256x64xf32, #tpu.memory_space<vmem>>, vector<1x16xf32>,
        %get3A_156 = vector.shape_cast %get3A_155 : vector<1x16xf32> to vector<16xf32>
        %mul3A_157 = arith.constant 8.000000e+00 : f32
        %mul3A_158 = vector.broadcast %mul3A_157 : f32 to vector<16xf32>
        %mul3A_159 = arith.mulf %get3A_156, %mul3A_158 : vector<16xf32>
        %swap3A_160 = arith.index_cast %scan3A_128 : i32 to index
        %swap3A_161 = arith.constant 32 : index
        %swap3A_162 = tpu.vector_load %arg6[%swap3A_160, %swap3A_161] {strides = array<i32>} : memref<256x64xf32, #tpu.memory_space<vmem>>, vector<1x16xf32>,
        %swap3A_163 = vector.shape_cast %swap3A_162 : vector<1x16xf32> to vector<16xf32>
        %swap3A_164 = vector.shape_cast %mul3A_159 : vector<16xf32> to vector<1x16xf32>
        tpu.vector_store %arg6[%swap3A_160, %swap3A_161], %swap3A_164 {strides = array<i32>} : memref<256x64xf32, #tpu.memory_space<vmem>>, vector<1x16xf32>,
        %get3A_165 = arith.index_cast %scan3A_128 : i32 to index
        %get3A_166 = arith.constant 48 : index
        %get3A_167 = tpu.vector_load %arg6[%get3A_165, %get3A_166] {strides = array<i32>} : memref<256x64xf32, #tpu.memory_space<vmem>>, vector<1x16xf32>,
        %get3A_168 = vector.shape_cast %get3A_167 : vector<1x16xf32> to vector<16xf32>
        %mul3A_169 = arith.constant 8.000000e+00 : f32
        %mul3A_170 = vector.broadcast %mul3A_169 : f32 to vector<16xf32>
        %mul3A_171 = arith.mulf %get3A_168, %mul3A_170 : vector<16xf32>
        %swap3A_172 = arith.index_cast %scan3A_128 : i32 to index
        %swap3A_173 = arith.constant 48 : index
        %swap3A_174 = tpu.vector_load %arg6[%swap3A_172, %swap3A_173] {strides = array<i32>} : memref<256x64xf32, #tpu.memory_space<vmem>>, vector<1x16xf32>,
        %swap3A_175 = vector.shape_cast %swap3A_174 : vector<1x16xf32> to vector<16xf32>
        %swap3A_176 = vector.shape_cast %mul3A_171 : vector<16xf32> to vector<1x16xf32>
        tpu.vector_store %arg6[%swap3A_172, %swap3A_173], %swap3A_176 {strides = array<i32>} : memref<256x64xf32, #tpu.memory_space<vmem>>, vector<1x16xf32>,
        %scan3A_177 = arith.constant 2 : i32
        %scan3A_178 = arith.addi %scan3A_80, %scan3A_177 : i32
        %get3A_179 = arith.index_cast %scan3A_178 : i32 to index
        %get3A_180 = arith.constant 0 : index
        %get3A_181 = tpu.vector_load %arg6[%get3A_179, %get3A_180] {strides = array<i32>} : memref<256x64xf32, #tpu.memory_space<vmem>>, vector<1x16xf32>,
        %get3A_182 = vector.shape_cast %get3A_181 : vector<1x16xf32> to vector<16xf32>
        %mul3A_183 = arith.constant 8.000000e+00 : f32
        %mul3A_184 = vector.broadcast %mul3A_183 : f32 to vector<16xf32>
        %mul3A_185 = arith.mulf %get3A_182, %mul3A_184 : vector<16xf32>
        %swap3A_186 = arith.index_cast %scan3A_178 : i32 to index
        %swap3A_187 = arith.constant 0 : index
        %swap3A_188 = tpu.vector_load %arg6[%swap3A_186, %swap3A_187] {strides = array<i32>} : memref<256x64xf32, #tpu.memory_space<vmem>>, vector<1x16xf32>,
        %swap3A_189 = vector.shape_cast %swap3A_188 : vector<1x16xf32> to vector<16xf32>
        %swap3A_190 = vector.shape_cast %mul3A_185 : vector<16xf32> to vector<1x16xf32>
        tpu.vector_store %arg6[%swap3A_186, %swap3A_187], %swap3A_190 {strides = array<i32>} : memref<256x64xf32, #tpu.memory_space<vmem>>, vector<1x16xf32>,
        %get3A_191 = arith.index_cast %scan3A_178 : i32 to index
        %get3A_192 = arith.constant 16 : index
        %get3A_193 = tpu.vector_load %arg6[%get3A_191, %get3A_192] {strides = array<i32>} : memref<256x64xf32, #tpu.memory_space<vmem>>, vector<1x16xf32>,
        %get3A_194 = vector.shape_cast %get3A_193 : vector<1x16xf32> to vector<16xf32>
        %mul3A_195 = arith.constant 8.000000e+00 : f32
        %mul3A_196 = vector.broadcast %mul3A_195 : f32 to vector<16xf32>
        %mul3A_197 = arith.mulf %get3A_194, %mul3A_196 : vector<16xf32>
        %swap3A_198 = arith.index_cast %scan3A_178 : i32 to index
        %swap3A_199 = arith.constant 16 : index
        %swap3A_200 = tpu.vector_load %arg6[%swap3A_198, %swap3A_199] {strides = array<i32>} : memref<256x64xf32, #tpu.memory_space<vmem>>, vector<1x16xf32>,
        %swap3A_201 = vector.shape_cast %swap3A_200 : vector<1x16xf32> to vector<16xf32>
        %swap3A_202 = vector.shape_cast %mul3A_197 : vector<16xf32> to vector<1x16xf32>
        tpu.vector_store %arg6[%swap3A_198, %swap3A_199], %swap3A_202 {strides = array<i32>} : memref<256x64xf32, #tpu.memory_space<vmem>>, vector<1x16xf32>,
        %get3A_203 = arith.index_cast %scan3A_178 : i32 to index
        %get3A_204 = arith.constant 32 : index
        %get3A_205 = tpu.vector_load %arg6[%get3A_203, %get3A_204] {strides = array<i32>} : memref<256x64xf32, #tpu.memory_space<vmem>>, vector<1x16xf32>,
        %get3A_206 = vector.shape_cast %get3A_205 : vector<1x16xf32> to vector<16xf32>
        %mul3A_207 = arith.constant 8.000000e+00 : f32
        %mul3A_208 = vector.broadcast %mul3A_207 : f32 to vector<16xf32>
        %mul3A_209 = arith.mulf %get3A_206, %mul3A_208 : vector<16xf32>
        %swap3A_210 = arith.index_cast %scan3A_178 : i32 to index
        %swap3A_211 = arith.constant 32 : index
        %swap3A_212 = tpu.vector_load %arg6[%swap3A_210, %swap3A_211] {strides = array<i32>} : memref<256x64xf32, #tpu.memory_space<vmem>>, vector<1x16xf32>,
        %swap3A_213 = vector.shape_cast %swap3A_212 : vector<1x16xf32> to vector<16xf32>
        %swap3A_214 = vector.shape_cast %mul3A_209 : vector<16xf32> to vector<1x16xf32>
        tpu.vector_store %arg6[%swap3A_210, %swap3A_211], %swap3A_214 {strides = array<i32>} : memref<256x64xf32, #tpu.memory_space<vmem>>, vector<1x16xf32>,
        %get3A_215 = arith.index_cast %scan3A_178 : i32 to index
        %get3A_216 = arith.constant 48 : index
        %get3A_217 = tpu.vector_load %arg6[%get3A_215, %get3A_216] {strides = array<i32>} : memref<256x64xf32, #tpu.memory_space<vmem>>, vector<1x16xf32>,
        %get3A_218 = vector.shape_cast %get3A_217 : vector<1x16xf32> to vector<16xf32>
        %mul3A_219 = arith.constant 8.000000e+00 : f32
        %mul3A_220 = vector.broadcast %mul3A_219 : f32 to vector<16xf32>
        %mul3A_221 = arith.mulf %get3A_218, %mul3A_220 : vector<16xf32>
        %swap3A_222 = arith.index_cast %scan3A_178 : i32 to index
        %swap3A_223 = arith.constant 48 : index
        %swap3A_224 = tpu.vector_load %arg6[%swap3A_222, %swap3A_223] {strides = array<i32>} : memref<256x64xf32, #tpu.memory_space<vmem>>, vector<1x16xf32>,
        %swap3A_225 = vector.shape_cast %swap3A_224 : vector<1x16xf32> to vector<16xf32>
        %swap3A_226 = vector.shape_cast %mul3A_221 : vector<16xf32> to vector<1x16xf32>
        tpu.vector_store %arg6[%swap3A_222, %swap3A_223], %swap3A_226 {strides = array<i32>} : memref<256x64xf32, #tpu.memory_space<vmem>>, vector<1x16xf32>,
        %scan3A_227 = arith.constant 3 : i32
        %scan3A_228 = arith.addi %scan3A_80, %scan3A_227 : i32
        %get3A_229 = arith.index_cast %scan3A_228 : i32 to index
        %get3A_230 = arith.constant 0 : index
        %get3A_231 = tpu.vector_load %arg6[%get3A_229, %get3A_230] {strides = array<i32>} : memref<256x64xf32, #tpu.memory_space<vmem>>, vector<1x16xf32>,
        %get3A_232 = vector.shape_cast %get3A_231 : vector<1x16xf32> to vector<16xf32>
        %mul3A_233 = arith.constant 8.000000e+00 : f32
        %mul3A_234 = vector.broadcast %mul3A_233 : f32 to vector<16xf32>
        %mul3A_235 = arith.mulf %get3A_232, %mul3A_234 : vector<16xf32>
        %swap3A_236 = arith.index_cast %scan3A_228 : i32 to index
        %swap3A_237 = arith.constant 0 : index
        %swap3A_238 = tpu.vector_load %arg6[%swap3A_236, %swap3A_237] {strides = array<i32>} : memref<256x64xf32, #tpu.memory_space<vmem>>, vector<1x16xf32>,
        %swap3A_239 = vector.shape_cast %swap3A_238 : vector<1x16xf32> to vector<16xf32>
        %swap3A_240 = vector.shape_cast %mul3A_235 : vector<16xf32> to vector<1x16xf32>
        tpu.vector_store %arg6[%swap3A_236, %swap3A_237], %swap3A_240 {strides = array<i32>} : memref<256x64xf32, #tpu.memory_space<vmem>>, vector<1x16xf32>,
        %get3A_241 = arith.index_cast %scan3A_228 : i32 to index
        %get3A_242 = arith.constant 16 : index
        %get3A_243 = tpu.vector_load %arg6[%get3A_241, %get3A_242] {strides = array<i32>} : memref<256x64xf32, #tpu.memory_space<vmem>>, vector<1x16xf32>,
        %get3A_244 = vector.shape_cast %get3A_243 : vector<1x16xf32> to vector<16xf32>
        %mul3A_245 = arith.constant 8.000000e+00 : f32
        %mul3A_246 = vector.broadcast %mul3A_245 : f32 to vector<16xf32>
        %mul3A_247 = arith.mulf %get3A_244, %mul3A_246 : vector<16xf32>
        %swap3A_248 = arith.index_cast %scan3A_228 : i32 to index
        %swap3A_249 = arith.constant 16 : index
        %swap3A_250 = tpu.vector_load %arg6[%swap3A_248, %swap3A_249] {strides = array<i32>} : memref<256x64xf32, #tpu.memory_space<vmem>>, vector<1x16xf32>,
        %swap3A_251 = vector.shape_cast %swap3A_250 : vector<1x16xf32> to vector<16xf32>
        %swap3A_252 = vector.shape_cast %mul3A_247 : vector<16xf32> to vector<1x16xf32>
        tpu.vector_store %arg6[%swap3A_248, %swap3A_249], %swap3A_252 {strides = array<i32>} : memref<256x64xf32, #tpu.memory_space<vmem>>, vector<1x16xf32>,
        %get3A_253 = arith.index_cast %scan3A_228 : i32 to index
        %get3A_254 = arith.constant 32 : index
        %get3A_255 = tpu.vector_load %arg6[%get3A_253, %get3A_254] {strides = array<i32>} : memref<256x64xf32, #tpu.memory_space<vmem>>, vector<1x16xf32>,
        %get3A_256 = vector.shape_cast %get3A_255 : vector<1x16xf32> to vector<16xf32>
        %mul3A_257 = arith.constant 8.000000e+00 : f32
        %mul3A_258 = vector.broadcast %mul3A_257 : f32 to vector<16xf32>
        %mul3A_259 = arith.mulf %get3A_256, %mul3A_258 : vector<16xf32>
        %swap3A_260 = arith.index_cast %scan3A_228 : i32 to index
        %swap3A_261 = arith.constant 32 : index
        %swap3A_262 = tpu.vector_load %arg6[%swap3A_260, %swap3A_261] {strides = array<i32>} : memref<256x64xf32, #tpu.memory_space<vmem>>, vector<1x16xf32>,
        %swap3A_263 = vector.shape_cast %swap3A_262 : vector<1x16xf32> to vector<16xf32>
        %swap3A_264 = vector.shape_cast %mul3A_259 : vector<16xf32> to vector<1x16xf32>
        tpu.vector_store %arg6[%swap3A_260, %swap3A_261], %swap3A_264 {strides = array<i32>} : memref<256x64xf32, #tpu.memory_space<vmem>>, vector<1x16xf32>,
        %get3A_265 = arith.index_cast %scan3A_228 : i32 to index
        %get3A_266 = arith.constant 48 : index
        %get3A_267 = tpu.vector_load %arg6[%get3A_265, %get3A_266] {strides = array<i32>} : memref<256x64xf32, #tpu.memory_space<vmem>>, vector<1x16xf32>,
        %get3A_268 = vector.shape_cast %get3A_267 : vector<1x16xf32> to vector<16xf32>
        %mul3A_269 = arith.constant 8.000000e+00 : f32
        %mul3A_270 = vector.broadcast %mul3A_269 : f32 to vector<16xf32>
        %mul3A_271 = arith.mulf %get3A_268, %mul3A_270 : vector<16xf32>
        %swap3A_272 = arith.index_cast %scan3A_228 : i32 to index
        %swap3A_273 = arith.constant 48 : index
        %swap3A_274 = tpu.vector_load %arg6[%swap3A_272, %swap3A_273] {strides = array<i32>} : memref<256x64xf32, #tpu.memory_space<vmem>>, vector<1x16xf32>,
        %swap3A_275 = vector.shape_cast %swap3A_274 : vector<1x16xf32> to vector<16xf32>
        %swap3A_276 = vector.shape_cast %mul3A_271 : vector<16xf32> to vector<1x16xf32>
        tpu.vector_store %arg6[%swap3A_272, %swap3A_273], %swap3A_276 {strides = array<i32>} : memref<256x64xf32, #tpu.memory_space<vmem>>, vector<1x16xf32>,
      }
      %scan3A_44 = arith.constant 256 : i32
      %mul3A_45 = arith.constant 256 : i32
      %mul3A_46 = arith.muli %add3A_28, %mul3A_45 : i32
      %add3A_47 = arith.addi %mul3A_2, %mul3A_46 : i32
      %dma_start3A_48 = arith.constant 0 : i32
      %dma_start3A_49 = tpu.memref_slice %arg4[%add3A_47, %dma_start3A_48] : memref<409600x64xf32, #tpu.memory_space<hbm>> -> memref<256x64xf32, #tpu.memory_space<hbm>>
      %dma_start3A_50 = arith.constant 0 : i32
      %dma_start3A_51 = tpu.memref_slice %arg4[%add3A_47, %dma_start3A_50] : memref<409600x64xf32, #tpu.memory_space<hbm>> -> memref<256x64xf32, #tpu.memory_space<hbm>>
      tpu.enqueue_dma source(%arg6 : memref<256x64xf32, #tpu.memory_space<vmem>>) target(%dma_start3A_51 : memref<256x64xf32, #tpu.memory_space<hbm>>) target_semaphore(%arg10 : memref<!tpu.dma_semaphore, #tpu.memory_space<semaphore_mem>>)
      %add3A_52 = arith.constant 1 : i32
      %add3A_53 = arith.addi %add3A_26, %add3A_52 : i32
      %add3A_54 = arith.constant 1 : i32
      %add3A_55 = arith.addi %add3A_53, %add3A_54 : i32
      %lt3A_56 = arith.constant 50 : i32
      %lt3A_57 = arith.cmpi slt, %add3A_55, %lt3A_56 : i32
      %convert_element_type3A_58 = arith.extui %lt3A_57 : i1 to i32
      %cond3A_59 = arith.constant 0 : i32
      %cond3A_60 = arith.cmpi ne, %convert_element_type3A_58, %cond3A_59 : i32
      scf.if %cond3A_60 {
        %ge3A = arith.constant 2 : i32
        %ge3A_80 = arith.cmpi sge, %add3A_55, %ge3A : i32
        %convert_element_type3A_81 = arith.extui %ge3A_80 : i1 to i32
        %cond3A_82 = arith.constant 0 : i32
        %cond3A_83 = arith.cmpi ne, %convert_element_type3A_81, %cond3A_82 : i32
        scf.if %cond3A_83 {
          %sub3A = arith.constant 2 : i32
          %sub3A_90 = arith.subi %add3A_55, %sub3A : i32
          %mul3A_91 = arith.constant 256 : i32
          %mul3A_92 = arith.muli %sub3A_90, %mul3A_91 : i32
          %add3A_93 = arith.addi %mul3A_2, %mul3A_92 : i32
          %dma_wait3A_94 = arith.constant 0 : i32
          %dma_wait3A_95 = tpu.memref_slice %arg4[%add3A_93, %dma_wait3A_94] : memref<409600x64xf32, #tpu.memory_space<hbm>> -> memref<256x64xf32, #tpu.memory_space<hbm>>
          %dma_wait3A_96 = arith.constant 0 : i32
          %dma_wait3A_97 = tpu.memref_slice %arg4[%add3A_93, %dma_wait3A_96] : memref<409600x64xf32, #tpu.memory_space<hbm>> -> memref<256x64xf32, #tpu.memory_space<hbm>>
          tpu.wait_dma2 semaphore(%arg10 : memref<!tpu.dma_semaphore, #tpu.memory_space<semaphore_mem>>) src(%arg6 : memref<256x64xf32, #tpu.memory_space<vmem>>) dst(%dma_wait3A_97 : memref<256x64xf32, #tpu.memory_space<hbm>>)
        } else {
        }
        %mul3A_84 = arith.constant 256 : i32
        %mul3A_85 = arith.muli %add3A_55, %mul3A_84 : i32
        %dma_start3A_86 = tpu.memref_slice %arg5[%mul3A_85] : memref<12800xi32, #tpu.memory_space<vmem>> -> memref<256xi32, #tpu.memory_space<vmem>>
        %dma_start3A_87 = arith.constant 0 : i32
        %dma_start3A_88 = arith.constant 0 : i32
        %dma_start3A_89 = tpu.memref_slice %arg3[%dma_start3A_87, %dma_start3A_88] : memref<1000000x64xf32, #tpu.memory_space<hbm>> -> memref<1000000x64xf32, #tpu.memory_space<hbm>>
        tpu.enqueue_indirect_dma source(%dma_start3A_89 : memref<1000000x64xf32, #tpu.memory_space<hbm>>) target(%arg6 : memref<256x64xf32, #tpu.memory_space<vmem>>) offsets(%dma_start3A_86 : memref<256xi32, #tpu.memory_space<vmem>>) semaphore(%arg8 : memref<!tpu.dma_semaphore, #tpu.memory_space<semaphore_mem>>)
      } else {
      }
      %mul3A_61 = arith.constant 256 : i32
      %mul3A_62 = arith.muli %add3A_53, %mul3A_61 : i32
      %dma_wait3A_63 = tpu.memref_slice %arg5[%mul3A_62] : memref<12800xi32, #tpu.memory_space<vmem>> -> memref<256xi32, #tpu.memory_space<vmem>>
      %dma_wait3A_64 = arith.constant 0 : i32
      %dma_wait3A_65 = arith.constant 0 : i32
      %dma_wait3A_66 = tpu.memref_slice %arg3[%dma_wait3A_64, %dma_wait3A_65] : memref<1000000x64xf32, #tpu.memory_space<hbm>> -> memref<1000000x64xf32, #tpu.memory_space<hbm>>
      tpu.wait_indirect_dma semaphore(%arg9 : memref<!tpu.dma_semaphore, #tpu.memory_space<semaphore_mem>>) src(%dma_wait3A_66 : memref<1000000x64xf32, #tpu.memory_space<hbm>>) dst(%arg7 : memref<256x64xf32, #tpu.memory_space<vmem>>)
      %scan3A_67 = arith.constant 0 : i32
      %scan3A_68 = arith.constant 0 : i32
      %scan3A_69 = arith.constant 256 : i32
      %scan3A_70 = arith.addi %scan3A_68, %scan3A_69 : i32
      %scan3A_71 = arith.constant 4 : i32
      scf.for %scan3A_80 = %scan3A_68 to %scan3A_70 step %scan3A_71  : i32 {
        %get3A = arith.index_cast %scan3A_80 : i32 to index
        %get3A_81 = arith.constant 0 : index
        %get3A_82 = tpu.vector_load %arg7[%get3A, %get3A_81] {strides = array<i32>} : memref<256x64xf32, #tpu.memory_space<vmem>>, vector<1x16xf32>,
        %get3A_83 = vector.shape_cast %get3A_82 : vector<1x16xf32> to vector<16xf32>
        %mul3A_84 = arith.constant 8.000000e+00 : f32
        %mul3A_85 = vector.broadcast %mul3A_84 : f32 to vector<16xf32>
        %mul3A_86 = arith.mulf %get3A_83, %mul3A_85 : vector<16xf32>
        %swap3A = arith.index_cast %scan3A_80 : i32 to index
        %swap3A_87 = arith.constant 0 : index
        %swap3A_88 = tpu.vector_load %arg7[%swap3A, %swap3A_87] {strides = array<i32>} : memref<256x64xf32, #tpu.memory_space<vmem>>, vector<1x16xf32>,
        %swap3A_89 = vector.shape_cast %swap3A_88 : vector<1x16xf32> to vector<16xf32>
        %swap3A_90 = vector.shape_cast %mul3A_86 : vector<16xf32> to vector<1x16xf32>
        tpu.vector_store %arg7[%swap3A, %swap3A_87], %swap3A_90 {strides = array<i32>} : memref<256x64xf32, #tpu.memory_space<vmem>>, vector<1x16xf32>,
        %get3A_91 = arith.index_cast %scan3A_80 : i32 to index
        %get3A_92 = arith.constant 16 : index
        %get3A_93 = tpu.vector_load %arg7[%get3A_91, %get3A_92] {strides = array<i32>} : memref<256x64xf32, #tpu.memory_space<vmem>>, vector<1x16xf32>,
        %get3A_94 = vector.shape_cast %get3A_93 : vector<1x16xf32> to vector<16xf32>
        %mul3A_95 = arith.constant 8.000000e+00 : f32
        %mul3A_96 = vector.broadcast %mul3A_95 : f32 to vector<16xf32>
        %mul3A_97 = arith.mulf %get3A_94, %mul3A_96 : vector<16xf32>
        %swap3A_98 = arith.index_cast %scan3A_80 : i32 to index
        %swap3A_99 = arith.constant 16 : index
        %swap3A_100 = tpu.vector_load %arg7[%swap3A_98, %swap3A_99] {strides = array<i32>} : memref<256x64xf32, #tpu.memory_space<vmem>>, vector<1x16xf32>,
        %swap3A_101 = vector.shape_cast %swap3A_100 : vector<1x16xf32> to vector<16xf32>
        %swap3A_102 = vector.shape_cast %mul3A_97 : vector<16xf32> to vector<1x16xf32>
        tpu.vector_store %arg7[%swap3A_98, %swap3A_99], %swap3A_102 {strides = array<i32>} : memref<256x64xf32, #tpu.memory_space<vmem>>, vector<1x16xf32>,
        %get3A_103 = arith.index_cast %scan3A_80 : i32 to index
        %get3A_104 = arith.constant 32 : index
        %get3A_105 = tpu.vector_load %arg7[%get3A_103, %get3A_104] {strides = array<i32>} : memref<256x64xf32, #tpu.memory_space<vmem>>, vector<1x16xf32>,
        %get3A_106 = vector.shape_cast %get3A_105 : vector<1x16xf32> to vector<16xf32>
        %mul3A_107 = arith.constant 8.000000e+00 : f32
        %mul3A_108 = vector.broadcast %mul3A_107 : f32 to vector<16xf32>
        %mul3A_109 = arith.mulf %get3A_106, %mul3A_108 : vector<16xf32>
        %swap3A_110 = arith.index_cast %scan3A_80 : i32 to index
        %swap3A_111 = arith.constant 32 : index
        %swap3A_112 = tpu.vector_load %arg7[%swap3A_110, %swap3A_111] {strides = array<i32>} : memref<256x64xf32, #tpu.memory_space<vmem>>, vector<1x16xf32>,
        %swap3A_113 = vector.shape_cast %swap3A_112 : vector<1x16xf32> to vector<16xf32>
        %swap3A_114 = vector.shape_cast %mul3A_109 : vector<16xf32> to vector<1x16xf32>
        tpu.vector_store %arg7[%swap3A_110, %swap3A_111], %swap3A_114 {strides = array<i32>} : memref<256x64xf32, #tpu.memory_space<vmem>>, vector<1x16xf32>,
        %get3A_115 = arith.index_cast %scan3A_80 : i32 to index
        %get3A_116 = arith.constant 48 : index
        %get3A_117 = tpu.vector_load %arg7[%get3A_115, %get3A_116] {strides = array<i32>} : memref<256x64xf32, #tpu.memory_space<vmem>>, vector<1x16xf32>,
        %get3A_118 = vector.shape_cast %get3A_117 : vector<1x16xf32> to vector<16xf32>
        %mul3A_119 = arith.constant 8.000000e+00 : f32
        %mul3A_120 = vector.broadcast %mul3A_119 : f32 to vector<16xf32>
        %mul3A_121 = arith.mulf %get3A_118, %mul3A_120 : vector<16xf32>
        %swap3A_122 = arith.index_cast %scan3A_80 : i32 to index
        %swap3A_123 = arith.constant 48 : index
        %swap3A_124 = tpu.vector_load %arg7[%swap3A_122, %swap3A_123] {strides = array<i32>} : memref<256x64xf32, #tpu.memory_space<vmem>>, vector<1x16xf32>,
        %swap3A_125 = vector.shape_cast %swap3A_124 : vector<1x16xf32> to vector<16xf32>
        %swap3A_126 = vector.shape_cast %mul3A_121 : vector<16xf32> to vector<1x16xf32>
        tpu.vector_store %arg7[%swap3A_122, %swap3A_123], %swap3A_126 {strides = array<i32>} : memref<256x64xf32, #tpu.memory_space<vmem>>, vector<1x16xf32>,
        %scan3A_127 = arith.constant 1 : i32
        %scan3A_128 = arith.addi %scan3A_80, %scan3A_127 : i32
        %get3A_129 = arith.index_cast %scan3A_128 : i32 to index
        %get3A_130 = arith.constant 0 : index
        %get3A_131 = tpu.vector_load %arg7[%get3A_129, %get3A_130] {strides = array<i32>} : memref<256x64xf32, #tpu.memory_space<vmem>>, vector<1x16xf32>,
        %get3A_132 = vector.shape_cast %get3A_131 : vector<1x16xf32> to vector<16xf32>
        %mul3A_133 = arith.constant 8.000000e+00 : f32
        %mul3A_134 = vector.broadcast %mul3A_133 : f32 to vector<16xf32>
        %mul3A_135 = arith.mulf %get3A_132, %mul3A_134 : vector<16xf32>
        %swap3A_136 = arith.index_cast %scan3A_128 : i32 to index
        %swap3A_137 = arith.constant 0 : index
        %swap3A_138 = tpu.vector_load %arg7[%swap3A_136, %swap3A_137] {strides = array<i32>} : memref<256x64xf32, #tpu.memory_space<vmem>>, vector<1x16xf32>,
        %swap3A_139 = vector.shape_cast %swap3A_138 : vector<1x16xf32> to vector<16xf32>
        %swap3A_140 = vector.shape_cast %mul3A_135 : vector<16xf32> to vector<1x16xf32>
        tpu.vector_store %arg7[%swap3A_136, %swap3A_137], %swap3A_140 {strides = array<i32>} : memref<256x64xf32, #tpu.memory_space<vmem>>, vector<1x16xf32>,
        %get3A_141 = arith.index_cast %scan3A_128 : i32 to index
        %get3A_142 = arith.constant 16 : index
        %get3A_143 = tpu.vector_load %arg7[%get3A_141, %get3A_142] {strides = array<i32>} : memref<256x64xf32, #tpu.memory_space<vmem>>, vector<1x16xf32>,
        %get3A_144 = vector.shape_cast %get3A_143 : vector<1x16xf32> to vector<16xf32>
        %mul3A_145 = arith.constant 8.000000e+00 : f32
        %mul3A_146 = vector.broadcast %mul3A_145 : f32 to vector<16xf32>
        %mul3A_147 = arith.mulf %get3A_144, %mul3A_146 : vector<16xf32>
        %swap3A_148 = arith.index_cast %scan3A_128 : i32 to index
        %swap3A_149 = arith.constant 16 : index
        %swap3A_150 = tpu.vector_load %arg7[%swap3A_148, %swap3A_149] {strides = array<i32>} : memref<256x64xf32, #tpu.memory_space<vmem>>, vector<1x16xf32>,
        %swap3A_151 = vector.shape_cast %swap3A_150 : vector<1x16xf32> to vector<16xf32>
        %swap3A_152 = vector.shape_cast %mul3A_147 : vector<16xf32> to vector<1x16xf32>
        tpu.vector_store %arg7[%swap3A_148, %swap3A_149], %swap3A_152 {strides = array<i32>} : memref<256x64xf32, #tpu.memory_space<vmem>>, vector<1x16xf32>,
        %get3A_153 = arith.index_cast %scan3A_128 : i32 to index
        %get3A_154 = arith.constant 32 : index
        %get3A_155 = tpu.vector_load %arg7[%get3A_153, %get3A_154] {strides = array<i32>} : memref<256x64xf32, #tpu.memory_space<vmem>>, vector<1x16xf32>,
        %get3A_156 = vector.shape_cast %get3A_155 : vector<1x16xf32> to vector<16xf32>
        %mul3A_157 = arith.constant 8.000000e+00 : f32
        %mul3A_158 = vector.broadcast %mul3A_157 : f32 to vector<16xf32>
        %mul3A_159 = arith.mulf %get3A_156, %mul3A_158 : vector<16xf32>
        %swap3A_160 = arith.index_cast %scan3A_128 : i32 to index
        %swap3A_161 = arith.constant 32 : index
        %swap3A_162 = tpu.vector_load %arg7[%swap3A_160, %swap3A_161] {strides = array<i32>} : memref<256x64xf32, #tpu.memory_space<vmem>>, vector<1x16xf32>,
        %swap3A_163 = vector.shape_cast %swap3A_162 : vector<1x16xf32> to vector<16xf32>
        %swap3A_164 = vector.shape_cast %mul3A_159 : vector<16xf32> to vector<1x16xf32>
        tpu.vector_store %arg7[%swap3A_160, %swap3A_161], %swap3A_164 {strides = array<i32>} : memref<256x64xf32, #tpu.memory_space<vmem>>, vector<1x16xf32>,
        %get3A_165 = arith.index_cast %scan3A_128 : i32 to index
        %get3A_166 = arith.constant 48 : index
        %get3A_167 = tpu.vector_load %arg7[%get3A_165, %get3A_166] {strides = array<i32>} : memref<256x64xf32, #tpu.memory_space<vmem>>, vector<1x16xf32>,
        %get3A_168 = vector.shape_cast %get3A_167 : vector<1x16xf32> to vector<16xf32>
        %mul3A_169 = arith.constant 8.000000e+00 : f32
        %mul3A_170 = vector.broadcast %mul3A_169 : f32 to vector<16xf32>
        %mul3A_171 = arith.mulf %get3A_168, %mul3A_170 : vector<16xf32>
        %swap3A_172 = arith.index_cast %scan3A_128 : i32 to index
        %swap3A_173 = arith.constant 48 : index
        %swap3A_174 = tpu.vector_load %arg7[%swap3A_172, %swap3A_173] {strides = array<i32>} : memref<256x64xf32, #tpu.memory_space<vmem>>, vector<1x16xf32>,
        %swap3A_175 = vector.shape_cast %swap3A_174 : vector<1x16xf32> to vector<16xf32>
        %swap3A_176 = vector.shape_cast %mul3A_171 : vector<16xf32> to vector<1x16xf32>
        tpu.vector_store %arg7[%swap3A_172, %swap3A_173], %swap3A_176 {strides = array<i32>} : memref<256x64xf32, #tpu.memory_space<vmem>>, vector<1x16xf32>,
        %scan3A_177 = arith.constant 2 : i32
        %scan3A_178 = arith.addi %scan3A_80, %scan3A_177 : i32
        %get3A_179 = arith.index_cast %scan3A_178 : i32 to index
        %get3A_180 = arith.constant 0 : index
        %get3A_181 = tpu.vector_load %arg7[%get3A_179, %get3A_180] {strides = array<i32>} : memref<256x64xf32, #tpu.memory_space<vmem>>, vector<1x16xf32>,
        %get3A_182 = vector.shape_cast %get3A_181 : vector<1x16xf32> to vector<16xf32>
        %mul3A_183 = arith.constant 8.000000e+00 : f32
        %mul3A_184 = vector.broadcast %mul3A_183 : f32 to vector<16xf32>
        %mul3A_185 = arith.mulf %get3A_182, %mul3A_184 : vector<16xf32>
        %swap3A_186 = arith.index_cast %scan3A_178 : i32 to index
        %swap3A_187 = arith.constant 0 : index
        %swap3A_188 = tpu.vector_load %arg7[%swap3A_186, %swap3A_187] {strides = array<i32>} : memref<256x64xf32, #tpu.memory_space<vmem>>, vector<1x16xf32>,
        %swap3A_189 = vector.shape_cast %swap3A_188 : vector<1x16xf32> to vector<16xf32>
        %swap3A_190 = vector.shape_cast %mul3A_185 : vector<16xf32> to vector<1x16xf32>
        tpu.vector_store %arg7[%swap3A_186, %swap3A_187], %swap3A_190 {strides = array<i32>} : memref<256x64xf32, #tpu.memory_space<vmem>>, vector<1x16xf32>,
        %get3A_191 = arith.index_cast %scan3A_178 : i32 to index
        %get3A_192 = arith.constant 16 : index
        %get3A_193 = tpu.vector_load %arg7[%get3A_191, %get3A_192] {strides = array<i32>} : memref<256x64xf32, #tpu.memory_space<vmem>>, vector<1x16xf32>,
        %get3A_194 = vector.shape_cast %get3A_193 : vector<1x16xf32> to vector<16xf32>
        %mul3A_195 = arith.constant 8.000000e+00 : f32
        %mul3A_196 = vector.broadcast %mul3A_195 : f32 to vector<16xf32>
        %mul3A_197 = arith.mulf %get3A_194, %mul3A_196 : vector<16xf32>
        %swap3A_198 = arith.index_cast %scan3A_178 : i32 to index
        %swap3A_199 = arith.constant 16 : index
        %swap3A_200 = tpu.vector_load %arg7[%swap3A_198, %swap3A_199] {strides = array<i32>} : memref<256x64xf32, #tpu.memory_space<vmem>>, vector<1x16xf32>,
        %swap3A_201 = vector.shape_cast %swap3A_200 : vector<1x16xf32> to vector<16xf32>
        %swap3A_202 = vector.shape_cast %mul3A_197 : vector<16xf32> to vector<1x16xf32>
        tpu.vector_store %arg7[%swap3A_198, %swap3A_199], %swap3A_202 {strides = array<i32>} : memref<256x64xf32, #tpu.memory_space<vmem>>, vector<1x16xf32>,
        %get3A_203 = arith.index_cast %scan3A_178 : i32 to index
        %get3A_204 = arith.constant 32 : index
        %get3A_205 = tpu.vector_load %arg7[%get3A_203, %get3A_204] {strides = array<i32>} : memref<256x64xf32, #tpu.memory_space<vmem>>, vector<1x16xf32>,
        %get3A_206 = vector.shape_cast %get3A_205 : vector<1x16xf32> to vector<16xf32>
        %mul3A_207 = arith.constant 8.000000e+00 : f32
        %mul3A_208 = vector.broadcast %mul3A_207 : f32 to vector<16xf32>
        %mul3A_209 = arith.mulf %get3A_206, %mul3A_208 : vector<16xf32>
        %swap3A_210 = arith.index_cast %scan3A_178 : i32 to index
        %swap3A_211 = arith.constant 32 : index
        %swap3A_212 = tpu.vector_load %arg7[%swap3A_210, %swap3A_211] {strides = array<i32>} : memref<256x64xf32, #tpu.memory_space<vmem>>, vector<1x16xf32>,
        %swap3A_213 = vector.shape_cast %swap3A_212 : vector<1x16xf32> to vector<16xf32>
        %swap3A_214 = vector.shape_cast %mul3A_209 : vector<16xf32> to vector<1x16xf32>
        tpu.vector_store %arg7[%swap3A_210, %swap3A_211], %swap3A_214 {strides = array<i32>} : memref<256x64xf32, #tpu.memory_space<vmem>>, vector<1x16xf32>,
        %get3A_215 = arith.index_cast %scan3A_178 : i32 to index
        %get3A_216 = arith.constant 48 : index
        %get3A_217 = tpu.vector_load %arg7[%get3A_215, %get3A_216] {strides = array<i32>} : memref<256x64xf32, #tpu.memory_space<vmem>>, vector<1x16xf32>,
        %get3A_218 = vector.shape_cast %get3A_217 : vector<1x16xf32> to vector<16xf32>
        %mul3A_219 = arith.constant 8.000000e+00 : f32
        %mul3A_220 = vector.broadcast %mul3A_219 : f32 to vector<16xf32>
        %mul3A_221 = arith.mulf %get3A_218, %mul3A_220 : vector<16xf32>
        %swap3A_222 = arith.index_cast %scan3A_178 : i32 to index
        %swap3A_223 = arith.constant 48 : index
        %swap3A_224 = tpu.vector_load %arg7[%swap3A_222, %swap3A_223] {strides = array<i32>} : memref<256x64xf32, #tpu.memory_space<vmem>>, vector<1x16xf32>,
        %swap3A_225 = vector.shape_cast %swap3A_224 : vector<1x16xf32> to vector<16xf32>
        %swap3A_226 = vector.shape_cast %mul3A_221 : vector<16xf32> to vector<1x16xf32>
        tpu.vector_store %arg7[%swap3A_222, %swap3A_223], %swap3A_226 {strides = array<i32>} : memref<256x64xf32, #tpu.memory_space<vmem>>, vector<1x16xf32>,
        %scan3A_227 = arith.constant 3 : i32
        %scan3A_228 = arith.addi %scan3A_80, %scan3A_227 : i32
        %get3A_229 = arith.index_cast %scan3A_228 : i32 to index
        %get3A_230 = arith.constant 0 : index
        %get3A_231 = tpu.vector_load %arg7[%get3A_229, %get3A_230] {strides = array<i32>} : memref<256x64xf32, #tpu.memory_space<vmem>>, vector<1x16xf32>,
        %get3A_232 = vector.shape_cast %get3A_231 : vector<1x16xf32> to vector<16xf32>
        %mul3A_233 = arith.constant 8.000000e+00 : f32
        %mul3A_234 = vector.broadcast %mul3A_233 : f32 to vector<16xf32>
        %mul3A_235 = arith.mulf %get3A_232, %mul3A_234 : vector<16xf32>
        %swap3A_236 = arith.index_cast %scan3A_228 : i32 to index
        %swap3A_237 = arith.constant 0 : index
        %swap3A_238 = tpu.vector_load %arg7[%swap3A_236, %swap3A_237] {strides = array<i32>} : memref<256x64xf32, #tpu.memory_space<vmem>>, vector<1x16xf32>,
        %swap3A_239 = vector.shape_cast %swap3A_238 : vector<1x16xf32> to vector<16xf32>
        %swap3A_240 = vector.shape_cast %mul3A_235 : vector<16xf32> to vector<1x16xf32>
        tpu.vector_store %arg7[%swap3A_236, %swap3A_237], %swap3A_240 {strides = array<i32>} : memref<256x64xf32, #tpu.memory_space<vmem>>, vector<1x16xf32>,
        %get3A_241 = arith.index_cast %scan3A_228 : i32 to index
        %get3A_242 = arith.constant 16 : index
        %get3A_243 = tpu.vector_load %arg7[%get3A_241, %get3A_242] {strides = array<i32>} : memref<256x64xf32, #tpu.memory_space<vmem>>, vector<1x16xf32>,
        %get3A_244 = vector.shape_cast %get3A_243 : vector<1x16xf32> to vector<16xf32>
        %mul3A_245 = arith.constant 8.000000e+00 : f32
        %mul3A_246 = vector.broadcast %mul3A_245 : f32 to vector<16xf32>
        %mul3A_247 = arith.mulf %get3A_244, %mul3A_246 : vector<16xf32>
        %swap3A_248 = arith.index_cast %scan3A_228 : i32 to index
        %swap3A_249 = arith.constant 16 : index
        %swap3A_250 = tpu.vector_load %arg7[%swap3A_248, %swap3A_249] {strides = array<i32>} : memref<256x64xf32, #tpu.memory_space<vmem>>, vector<1x16xf32>,
        %swap3A_251 = vector.shape_cast %swap3A_250 : vector<1x16xf32> to vector<16xf32>
        %swap3A_252 = vector.shape_cast %mul3A_247 : vector<16xf32> to vector<1x16xf32>
        tpu.vector_store %arg7[%swap3A_248, %swap3A_249], %swap3A_252 {strides = array<i32>} : memref<256x64xf32, #tpu.memory_space<vmem>>, vector<1x16xf32>,
        %get3A_253 = arith.index_cast %scan3A_228 : i32 to index
        %get3A_254 = arith.constant 32 : index
        %get3A_255 = tpu.vector_load %arg7[%get3A_253, %get3A_254] {strides = array<i32>} : memref<256x64xf32, #tpu.memory_space<vmem>>, vector<1x16xf32>,
        %get3A_256 = vector.shape_cast %get3A_255 : vector<1x16xf32> to vector<16xf32>
        %mul3A_257 = arith.constant 8.000000e+00 : f32
        %mul3A_258 = vector.broadcast %mul3A_257 : f32 to vector<16xf32>
        %mul3A_259 = arith.mulf %get3A_256, %mul3A_258 : vector<16xf32>
        %swap3A_260 = arith.index_cast %scan3A_228 : i32 to index
        %swap3A_261 = arith.constant 32 : index
        %swap3A_262 = tpu.vector_load %arg7[%swap3A_260, %swap3A_261] {strides = array<i32>} : memref<256x64xf32, #tpu.memory_space<vmem>>, vector<1x16xf32>,
        %swap3A_263 = vector.shape_cast %swap3A_262 : vector<1x16xf32> to vector<16xf32>
        %swap3A_264 = vector.shape_cast %mul3A_259 : vector<16xf32> to vector<1x16xf32>
        tpu.vector_store %arg7[%swap3A_260, %swap3A_261], %swap3A_264 {strides = array<i32>} : memref<256x64xf32, #tpu.memory_space<vmem>>, vector<1x16xf32>,
        %get3A_265 = arith.index_cast %scan3A_228 : i32 to index
        %get3A_266 = arith.constant 48 : index
        %get3A_267 = tpu.vector_load %arg7[%get3A_265, %get3A_266] {strides = array<i32>} : memref<256x64xf32, #tpu.memory_space<vmem>>, vector<1x16xf32>,
        %get3A_268 = vector.shape_cast %get3A_267 : vector<1x16xf32> to vector<16xf32>
        %mul3A_269 = arith.constant 8.000000e+00 : f32
        %mul3A_270 = vector.broadcast %mul3A_269 : f32 to vector<16xf32>
        %mul3A_271 = arith.mulf %get3A_268, %mul3A_270 : vector<16xf32>
        %swap3A_272 = arith.index_cast %scan3A_228 : i32 to index
        %swap3A_273 = arith.constant 48 : index
        %swap3A_274 = tpu.vector_load %arg7[%swap3A_272, %swap3A_273] {strides = array<i32>} : memref<256x64xf32, #tpu.memory_space<vmem>>, vector<1x16xf32>,
        %swap3A_275 = vector.shape_cast %swap3A_274 : vector<1x16xf32> to vector<16xf32>
        %swap3A_276 = vector.shape_cast %mul3A_271 : vector<16xf32> to vector<1x16xf32>
        tpu.vector_store %arg7[%swap3A_272, %swap3A_273], %swap3A_276 {strides = array<i32>} : memref<256x64xf32, #tpu.memory_space<vmem>>, vector<1x16xf32>,
      }
      %scan3A_72 = arith.constant 256 : i32
      %mul3A_73 = arith.constant 256 : i32
      %mul3A_74 = arith.muli %add3A_53, %mul3A_73 : i32
      %add3A_75 = arith.addi %mul3A_2, %mul3A_74 : i32
      %dma_start3A_76 = arith.constant 0 : i32
      %dma_start3A_77 = tpu.memref_slice %arg4[%add3A_75, %dma_start3A_76] : memref<409600x64xf32, #tpu.memory_space<hbm>> -> memref<256x64xf32, #tpu.memory_space<hbm>>
      %dma_start3A_78 = arith.constant 0 : i32
      %dma_start3A_79 = tpu.memref_slice %arg4[%add3A_75, %dma_start3A_78] : memref<409600x64xf32, #tpu.memory_space<hbm>> -> memref<256x64xf32, #tpu.memory_space<hbm>>
      tpu.enqueue_dma source(%arg7 : memref<256x64xf32, #tpu.memory_space<vmem>>) target(%dma_start3A_79 : memref<256x64xf32, #tpu.memory_space<hbm>>) target_semaphore(%arg11 : memref<!tpu.dma_semaphore, #tpu.memory_space<semaphore_mem>>)
    }
    %scan3A_10 = arith.constant 25 : i32
    %add3A_11 = arith.constant 12288 : i32
    %add3A_12 = arith.addi %mul3A_2, %add3A_11 : i32
    %dma_wait3A = arith.constant 0 : i32
    %dma_wait3A_13 = tpu.memref_slice %arg4[%add3A_12, %dma_wait3A] : memref<409600x64xf32, #tpu.memory_space<hbm>> -> memref<256x64xf32, #tpu.memory_space<hbm>>
    %dma_wait3A_14 = arith.constant 0 : i32
    %dma_wait3A_15 = tpu.memref_slice %arg4[%add3A_12, %dma_wait3A_14] : memref<409600x64xf32, #tpu.memory_space<hbm>> -> memref<256x64xf32, #tpu.memory_space<hbm>>
    tpu.wait_dma2 semaphore(%arg10 : memref<!tpu.dma_semaphore, #tpu.memory_space<semaphore_mem>>) src(%arg6 : memref<256x64xf32, #tpu.memory_space<vmem>>) dst(%dma_wait3A_15 : memref<256x64xf32, #tpu.memory_space<hbm>>)
    %add3A_16 = arith.constant 12544 : i32
    %add3A_17 = arith.addi %mul3A_2, %add3A_16 : i32
    %dma_wait3A_18 = arith.constant 0 : i32
    %dma_wait3A_19 = tpu.memref_slice %arg4[%add3A_17, %dma_wait3A_18] : memref<409600x64xf32, #tpu.memory_space<hbm>> -> memref<256x64xf32, #tpu.memory_space<hbm>>
    %dma_wait3A_20 = arith.constant 0 : i32
    %dma_wait3A_21 = tpu.memref_slice %arg4[%add3A_17, %dma_wait3A_20] : memref<409600x64xf32, #tpu.memory_space<hbm>> -> memref<256x64xf32, #tpu.memory_space<hbm>>
    tpu.wait_dma2 semaphore(%arg11 : memref<!tpu.dma_semaphore, #tpu.memory_space<semaphore_mem>>) src(%arg7 : memref<256x64xf32, #tpu.memory_space<vmem>>) dst(%dma_wait3A_21 : memref<256x64xf32, #tpu.memory_space<hbm>>)
    return
  }
}

#map = affine_map<(d0, d1) -> (0)>
#map1 = affine_map<(d0, d1) -> (0, 0)>
module attributes {stable_mosaic.version = 14 : i64} {
  func.func @emb(%arg0: i32, %arg1: i32, %arg2: memref<409600xi32, #tpu.memory_space<hbm>>, %arg3: memref<1000000x64xf32, #tpu.memory_space<hbm>>, %arg4: memref<409600x64xf32, #tpu.memory_space<hbm>>, %arg5: memref<12800xi32, #tpu.memory_space<vmem>>, %arg6: memref<256x64xf32, #tpu.memory_space<vmem>>, %arg7: memref<256x64xf32, #tpu.memory_space<vmem>>, %arg8: memref<!tpu.dma_semaphore, #tpu.memory_space<semaphore_mem>>, %arg9: memref<!tpu.dma_semaphore, #tpu.memory_space<semaphore_mem>>, %arg10: memref<!tpu.dma_semaphore, #tpu.memory_space<semaphore_mem>>, %arg11: memref<!tpu.dma_semaphore, #tpu.memory_space<semaphore_mem>>) attributes {dimension_semantics = [#tpu.dimension_semantics<core_parallel>, #tpu.dimension_semantics<subcore_parallel>], iteration_bounds = array<i64: 2, 16>, scalar_prefetch = 0 : i64, scratch_operands = 7 : i64, tpu.core_type = #tpu.core_type<sc_vector_subcore>, window_params = [{transform_indices = #map}, {transform_indices = #map1}, {transform_indices = #map1}]} {
    %mul3A = arith.constant 2 : i32
    %mul3A_0 = arith.muli %arg1, %mul3A : i32
    %add3A = arith.addi %mul3A_0, %arg0 : i32
    %mul3A_1 = arith.constant 12800 : i32
    %mul3A_2 = arith.muli %add3A, %mul3A_1 : i32
    "tpu.region"() ({
      %run_scoped3A = tpu.sem_alloc : memref<!tpu.dma_semaphore, #tpu.memory_space<semaphore_mem>>
      %dma_start3A_22 = tpu.memref_slice %arg2[%mul3A_2] : memref<409600xi32, #tpu.memory_space<hbm>> -> memref<12800xi32, #tpu.memory_space<hbm>>
      %dma_start3A_23 = tpu.memref_slice %arg2[%mul3A_2] : memref<409600xi32, #tpu.memory_space<hbm>> -> memref<12800xi32, #tpu.memory_space<hbm>>
      tpu.enqueue_dma source(%dma_start3A_23 : memref<12800xi32, #tpu.memory_space<hbm>>) target(%arg5 : memref<12800xi32, #tpu.memory_space<vmem>>) target_semaphore(%run_scoped3A : memref<!tpu.dma_semaphore, #tpu.memory_space<semaphore_mem>>)
      %dma_wait3A_24 = tpu.memref_slice %arg2[%mul3A_2] : memref<409600xi32, #tpu.memory_space<hbm>> -> memref<12800xi32, #tpu.memory_space<hbm>>
      %dma_wait3A_25 = tpu.memref_slice %arg2[%mul3A_2] : memref<409600xi32, #tpu.memory_space<hbm>> -> memref<12800xi32, #tpu.memory_space<hbm>>
      tpu.wait_dma2 semaphore(%run_scoped3A : memref<!tpu.dma_semaphore, #tpu.memory_space<semaphore_mem>>) src(%dma_wait3A_25 : memref<12800xi32, #tpu.memory_space<hbm>>) dst(%arg5 : memref<12800xi32, #tpu.memory_space<vmem>>)
      tpu.yield
    }) : () -> ()
    %dma_start3A = arith.constant 0 : i32
    %dma_start3A_3 = tpu.memref_slice %arg5[%dma_start3A] : memref<12800xi32, #tpu.memory_space<vmem>> -> memref<256xi32, #tpu.memory_space<vmem>>
    %dma_start3A_4 = arith.constant 0 : i32
    %dma_start3A_5 = arith.constant 0 : i32
    %dma_start3A_6 = tpu.memref_slice %arg3[%dma_start3A_4, %dma_start3A_5] : memref<1000000x64xf32, #tpu.memory_space<hbm>> -> memref<1000000x64xf32, #tpu.memory_space<hbm>>
    tpu.enqueue_indirect_dma source(%dma_start3A_6 : memref<1000000x64xf32, #tpu.memory_space<hbm>>) target(%arg6 : memref<256x64xf32, #tpu.memory_space<vmem>>) offsets(%dma_start3A_3 : memref<256xi32, #tpu.memory_space<vmem>>) semaphore(%arg8 : memref<!tpu.dma_semaphore, #tpu.memory_space<semaphore_mem>>)
    %scan3A = arith.constant 0 : i32
    %scan3A_7 = arith.constant 25 : i32
    %scan3A_8 = arith.addi %scan3A, %scan3A_7 : i32
    %scan3A_9 = arith.constant 1 : i32
    scf.for %scan3A_22 = %scan3A to %scan3A_8 step %scan3A_9  : i32 {
      %mul3A_23 = arith.constant 2 : i32
      %mul3A_24 = arith.muli %scan3A_22, %mul3A_23 : i32
      %add3A_25 = arith.constant 0 : i32
      %add3A_26 = arith.addi %add3A_25, %mul3A_24 : i32
      %add3A_27 = arith.constant 0 : i32
      %add3A_28 = arith.addi %add3A_26, %add3A_27 : i32
      %add3A_29 = arith.constant 1 : i32
      %add3A_30 = arith.addi %add3A_28, %add3A_29 : i32
      %lt3A = arith.constant 50 : i32
      %lt3A_31 = arith.cmpi slt, %add3A_30, %lt3A : i32
      %convert_element_type3A = arith.extui %lt3A_31 : i1 to i32
      %cond3A = arith.constant 0 : i32
      %cond3A_32 = arith.cmpi ne, %convert_element_type3A, %cond3A : i32
      scf.if %cond3A_32 {
        %ge3A = arith.constant 2 : i32
        %ge3A_80 = arith.cmpi sge, %add3A_30, %ge3A : i32
        %convert_element_type3A_81 = arith.extui %ge3A_80 : i1 to i32
        %cond3A_82 = arith.constant 0 : i32
        %cond3A_83 = arith.cmpi ne, %convert_element_type3A_81, %cond3A_82 : i32
        scf.if %cond3A_83 {
          %sub3A = arith.constant 2 : i32
          %sub3A_90 = arith.subi %add3A_30, %sub3A : i32
          %mul3A_91 = arith.constant 256 : i32
          %mul3A_92 = arith.muli %sub3A_90, %mul3A_91 : i32
          %add3A_93 = arith.addi %mul3A_2, %mul3A_92 : i32
          %dma_wait3A_94 = arith.constant 0 : i32
          %dma_wait3A_95 = tpu.memref_slice %arg4[%add3A_93, %dma_wait3A_94] : memref<409600x64xf32, #tpu.memory_space<hbm>> -> memref<256x64xf32, #tpu.memory_space<hbm>>
          %dma_wait3A_96 = arith.constant 0 : i32
          %dma_wait3A_97 = tpu.memref_slice %arg4[%add3A_93, %dma_wait3A_96] : memref<409600x64xf32, #tpu.memory_space<hbm>> -> memref<256x64xf32, #tpu.memory_space<hbm>>
          tpu.wait_dma2 semaphore(%arg11 : memref<!tpu.dma_semaphore, #tpu.memory_space<semaphore_mem>>) src(%arg7 : memref<256x64xf32, #tpu.memory_space<vmem>>) dst(%dma_wait3A_97 : memref<256x64xf32, #tpu.memory_space<hbm>>)
        } else {
        }
        %mul3A_84 = arith.constant 256 : i32
        %mul3A_85 = arith.muli %add3A_30, %mul3A_84 : i32
        %dma_start3A_86 = tpu.memref_slice %arg5[%mul3A_85] : memref<12800xi32, #tpu.memory_space<vmem>> -> memref<256xi32, #tpu.memory_space<vmem>>
        %dma_start3A_87 = arith.constant 0 : i32
        %dma_start3A_88 = arith.constant 0 : i32
        %dma_start3A_89 = tpu.memref_slice %arg3[%dma_start3A_87, %dma_start3A_88] : memref<1000000x64xf32, #tpu.memory_space<hbm>> -> memref<1000000x64xf32, #tpu.memory_space<hbm>>
        tpu.enqueue_indirect_dma source(%dma_start3A_89 : memref<1000000x64xf32, #tpu.memory_space<hbm>>) target(%arg7 : memref<256x64xf32, #tpu.memory_space<vmem>>) offsets(%dma_start3A_86 : memref<256xi32, #tpu.memory_space<vmem>>) semaphore(%arg9 : memref<!tpu.dma_semaphore, #tpu.memory_space<semaphore_mem>>)
      } else {
      }
      %mul3A_33 = arith.constant 256 : i32
      %mul3A_34 = arith.muli %add3A_28, %mul3A_33 : i32
      %dma_wait3A_35 = tpu.memref_slice %arg5[%mul3A_34] : memref<12800xi32, #tpu.memory_space<vmem>> -> memref<256xi32, #tpu.memory_space<vmem>>
      %dma_wait3A_36 = arith.constant 0 : i32
      %dma_wait3A_37 = arith.constant 0 : i32
      %dma_wait3A_38 = tpu.memref_slice %arg3[%dma_wait3A_36, %dma_wait3A_37] : memref<1000000x64xf32, #tpu.memory_space<hbm>> -> memref<1000000x64xf32, #tpu.memory_space<hbm>>
      tpu.wait_indirect_dma semaphore(%arg8 : memref<!tpu.dma_semaphore, #tpu.memory_space<semaphore_mem>>) src(%dma_wait3A_38 : memref<1000000x64xf32, #tpu.memory_space<hbm>>) dst(%arg6 : memref<256x64xf32, #tpu.memory_space<vmem>>)
      %scan3A_39 = arith.constant 0 : i32
      %scan3A_40 = arith.constant 0 : i32
      %scan3A_41 = arith.constant 256 : i32
      %scan3A_42 = arith.addi %scan3A_40, %scan3A_41 : i32
      %scan3A_43 = arith.constant 4 : i32
      scf.for %scan3A_80 = %scan3A_40 to %scan3A_42 step %scan3A_43  : i32 {
        %get3A = arith.index_cast %scan3A_80 : i32 to index
        %get3A_81 = arith.constant 0 : index
        %get3A_82 = tpu.vector_load %arg6[%get3A, %get3A_81] {strides = array<i32>} : memref<256x64xf32, #tpu.memory_space<vmem>>, vector<1x16xf32>,
        %get3A_83 = vector.shape_cast %get3A_82 : vector<1x16xf32> to vector<16xf32>
        %mul3A_84 = arith.constant 8.000000e+00 : f32
        %mul3A_85 = vector.broadcast %mul3A_84 : f32 to vector<16xf32>
        %mul3A_86 = arith.mulf %get3A_83, %mul3A_85 : vector<16xf32>
        %swap3A = arith.index_cast %scan3A_80 : i32 to index
        %swap3A_87 = arith.constant 0 : index
        %swap3A_88 = tpu.vector_load %arg6[%swap3A, %swap3A_87] {strides = array<i32>} : memref<256x64xf32, #tpu.memory_space<vmem>>, vector<1x16xf32>,
        %swap3A_89 = vector.shape_cast %swap3A_88 : vector<1x16xf32> to vector<16xf32>
        %swap3A_90 = vector.shape_cast %mul3A_86 : vector<16xf32> to vector<1x16xf32>
        tpu.vector_store %arg6[%swap3A, %swap3A_87], %swap3A_90 {strides = array<i32>} : memref<256x64xf32, #tpu.memory_space<vmem>>, vector<1x16xf32>,
        %get3A_91 = arith.index_cast %scan3A_80 : i32 to index
        %get3A_92 = arith.constant 16 : index
        %get3A_93 = tpu.vector_load %arg6[%get3A_91, %get3A_92] {strides = array<i32>} : memref<256x64xf32, #tpu.memory_space<vmem>>, vector<1x16xf32>,
        %get3A_94 = vector.shape_cast %get3A_93 : vector<1x16xf32> to vector<16xf32>
        %mul3A_95 = arith.constant 8.000000e+00 : f32
        %mul3A_96 = vector.broadcast %mul3A_95 : f32 to vector<16xf32>
        %mul3A_97 = arith.mulf %get3A_94, %mul3A_96 : vector<16xf32>
        %swap3A_98 = arith.index_cast %scan3A_80 : i32 to index
        %swap3A_99 = arith.constant 16 : index
        %swap3A_100 = tpu.vector_load %arg6[%swap3A_98, %swap3A_99] {strides = array<i32>} : memref<256x64xf32, #tpu.memory_space<vmem>>, vector<1x16xf32>,
        %swap3A_101 = vector.shape_cast %swap3A_100 : vector<1x16xf32> to vector<16xf32>
        %swap3A_102 = vector.shape_cast %mul3A_97 : vector<16xf32> to vector<1x16xf32>
        tpu.vector_store %arg6[%swap3A_98, %swap3A_99], %swap3A_102 {strides = array<i32>} : memref<256x64xf32, #tpu.memory_space<vmem>>, vector<1x16xf32>,
        %get3A_103 = arith.index_cast %scan3A_80 : i32 to index
        %get3A_104 = arith.constant 32 : index
        %get3A_105 = tpu.vector_load %arg6[%get3A_103, %get3A_104] {strides = array<i32>} : memref<256x64xf32, #tpu.memory_space<vmem>>, vector<1x16xf32>,
        %get3A_106 = vector.shape_cast %get3A_105 : vector<1x16xf32> to vector<16xf32>
        %mul3A_107 = arith.constant 8.000000e+00 : f32
        %mul3A_108 = vector.broadcast %mul3A_107 : f32 to vector<16xf32>
        %mul3A_109 = arith.mulf %get3A_106, %mul3A_108 : vector<16xf32>
        %swap3A_110 = arith.index_cast %scan3A_80 : i32 to index
        %swap3A_111 = arith.constant 32 : index
        %swap3A_112 = tpu.vector_load %arg6[%swap3A_110, %swap3A_111] {strides = array<i32>} : memref<256x64xf32, #tpu.memory_space<vmem>>, vector<1x16xf32>,
        %swap3A_113 = vector.shape_cast %swap3A_112 : vector<1x16xf32> to vector<16xf32>
        %swap3A_114 = vector.shape_cast %mul3A_109 : vector<16xf32> to vector<1x16xf32>
        tpu.vector_store %arg6[%swap3A_110, %swap3A_111], %swap3A_114 {strides = array<i32>} : memref<256x64xf32, #tpu.memory_space<vmem>>, vector<1x16xf32>,
        %get3A_115 = arith.index_cast %scan3A_80 : i32 to index
        %get3A_116 = arith.constant 48 : index
        %get3A_117 = tpu.vector_load %arg6[%get3A_115, %get3A_116] {strides = array<i32>} : memref<256x64xf32, #tpu.memory_space<vmem>>, vector<1x16xf32>,
        %get3A_118 = vector.shape_cast %get3A_117 : vector<1x16xf32> to vector<16xf32>
        %mul3A_119 = arith.constant 8.000000e+00 : f32
        %mul3A_120 = vector.broadcast %mul3A_119 : f32 to vector<16xf32>
        %mul3A_121 = arith.mulf %get3A_118, %mul3A_120 : vector<16xf32>
        %swap3A_122 = arith.index_cast %scan3A_80 : i32 to index
        %swap3A_123 = arith.constant 48 : index
        %swap3A_124 = tpu.vector_load %arg6[%swap3A_122, %swap3A_123] {strides = array<i32>} : memref<256x64xf32, #tpu.memory_space<vmem>>, vector<1x16xf32>,
        %swap3A_125 = vector.shape_cast %swap3A_124 : vector<1x16xf32> to vector<16xf32>
        %swap3A_126 = vector.shape_cast %mul3A_121 : vector<16xf32> to vector<1x16xf32>
        tpu.vector_store %arg6[%swap3A_122, %swap3A_123], %swap3A_126 {strides = array<i32>} : memref<256x64xf32, #tpu.memory_space<vmem>>, vector<1x16xf32>,
        %scan3A_127 = arith.constant 1 : i32
        %scan3A_128 = arith.addi %scan3A_80, %scan3A_127 : i32
        %get3A_129 = arith.index_cast %scan3A_128 : i32 to index
        %get3A_130 = arith.constant 0 : index
        %get3A_131 = tpu.vector_load %arg6[%get3A_129, %get3A_130] {strides = array<i32>} : memref<256x64xf32, #tpu.memory_space<vmem>>, vector<1x16xf32>,
        %get3A_132 = vector.shape_cast %get3A_131 : vector<1x16xf32> to vector<16xf32>
        %mul3A_133 = arith.constant 8.000000e+00 : f32
        %mul3A_134 = vector.broadcast %mul3A_133 : f32 to vector<16xf32>
        %mul3A_135 = arith.mulf %get3A_132, %mul3A_134 : vector<16xf32>
        %swap3A_136 = arith.index_cast %scan3A_128 : i32 to index
        %swap3A_137 = arith.constant 0 : index
        %swap3A_138 = tpu.vector_load %arg6[%swap3A_136, %swap3A_137] {strides = array<i32>} : memref<256x64xf32, #tpu.memory_space<vmem>>, vector<1x16xf32>,
        %swap3A_139 = vector.shape_cast %swap3A_138 : vector<1x16xf32> to vector<16xf32>
        %swap3A_140 = vector.shape_cast %mul3A_135 : vector<16xf32> to vector<1x16xf32>
        tpu.vector_store %arg6[%swap3A_136, %swap3A_137], %swap3A_140 {strides = array<i32>} : memref<256x64xf32, #tpu.memory_space<vmem>>, vector<1x16xf32>,
        %get3A_141 = arith.index_cast %scan3A_128 : i32 to index
        %get3A_142 = arith.constant 16 : index
        %get3A_143 = tpu.vector_load %arg6[%get3A_141, %get3A_142] {strides = array<i32>} : memref<256x64xf32, #tpu.memory_space<vmem>>, vector<1x16xf32>,
        %get3A_144 = vector.shape_cast %get3A_143 : vector<1x16xf32> to vector<16xf32>
        %mul3A_145 = arith.constant 8.000000e+00 : f32
        %mul3A_146 = vector.broadcast %mul3A_145 : f32 to vector<16xf32>
        %mul3A_147 = arith.mulf %get3A_144, %mul3A_146 : vector<16xf32>
        %swap3A_148 = arith.index_cast %scan3A_128 : i32 to index
        %swap3A_149 = arith.constant 16 : index
        %swap3A_150 = tpu.vector_load %arg6[%swap3A_148, %swap3A_149] {strides = array<i32>} : memref<256x64xf32, #tpu.memory_space<vmem>>, vector<1x16xf32>,
        %swap3A_151 = vector.shape_cast %swap3A_150 : vector<1x16xf32> to vector<16xf32>
        %swap3A_152 = vector.shape_cast %mul3A_147 : vector<16xf32> to vector<1x16xf32>
        tpu.vector_store %arg6[%swap3A_148, %swap3A_149], %swap3A_152 {strides = array<i32>} : memref<256x64xf32, #tpu.memory_space<vmem>>, vector<1x16xf32>,
        %get3A_153 = arith.index_cast %scan3A_128 : i32 to index
        %get3A_154 = arith.constant 32 : index
        %get3A_155 = tpu.vector_load %arg6[%get3A_153, %get3A_154] {strides = array<i32>} : memref<256x64xf32, #tpu.memory_space<vmem>>, vector<1x16xf32>,
        %get3A_156 = vector.shape_cast %get3A_155 : vector<1x16xf32> to vector<16xf32>
        %mul3A_157 = arith.constant 8.000000e+00 : f32
        %mul3A_158 = vector.broadcast %mul3A_157 : f32 to vector<16xf32>
        %mul3A_159 = arith.mulf %get3A_156, %mul3A_158 : vector<16xf32>
        %swap3A_160 = arith.index_cast %scan3A_128 : i32 to index
        %swap3A_161 = arith.constant 32 : index
        %swap3A_162 = tpu.vector_load %arg6[%swap3A_160, %swap3A_161] {strides = array<i32>} : memref<256x64xf32, #tpu.memory_space<vmem>>, vector<1x16xf32>,
        %swap3A_163 = vector.shape_cast %swap3A_162 : vector<1x16xf32> to vector<16xf32>
        %swap3A_164 = vector.shape_cast %mul3A_159 : vector<16xf32> to vector<1x16xf32>
        tpu.vector_store %arg6[%swap3A_160, %swap3A_161], %swap3A_164 {strides = array<i32>} : memref<256x64xf32, #tpu.memory_space<vmem>>, vector<1x16xf32>,
        %get3A_165 = arith.index_cast %scan3A_128 : i32 to index
        %get3A_166 = arith.constant 48 : index
        %get3A_167 = tpu.vector_load %arg6[%get3A_165, %get3A_166] {strides = array<i32>} : memref<256x64xf32, #tpu.memory_space<vmem>>, vector<1x16xf32>,
        %get3A_168 = vector.shape_cast %get3A_167 : vector<1x16xf32> to vector<16xf32>
        %mul3A_169 = arith.constant 8.000000e+00 : f32
        %mul3A_170 = vector.broadcast %mul3A_169 : f32 to vector<16xf32>
        %mul3A_171 = arith.mulf %get3A_168, %mul3A_170 : vector<16xf32>
        %swap3A_172 = arith.index_cast %scan3A_128 : i32 to index
        %swap3A_173 = arith.constant 48 : index
        %swap3A_174 = tpu.vector_load %arg6[%swap3A_172, %swap3A_173] {strides = array<i32>} : memref<256x64xf32, #tpu.memory_space<vmem>>, vector<1x16xf32>,
        %swap3A_175 = vector.shape_cast %swap3A_174 : vector<1x16xf32> to vector<16xf32>
        %swap3A_176 = vector.shape_cast %mul3A_171 : vector<16xf32> to vector<1x16xf32>
        tpu.vector_store %arg6[%swap3A_172, %swap3A_173], %swap3A_176 {strides = array<i32>} : memref<256x64xf32, #tpu.memory_space<vmem>>, vector<1x16xf32>,
        %scan3A_177 = arith.constant 2 : i32
        %scan3A_178 = arith.addi %scan3A_80, %scan3A_177 : i32
        %get3A_179 = arith.index_cast %scan3A_178 : i32 to index
        %get3A_180 = arith.constant 0 : index
        %get3A_181 = tpu.vector_load %arg6[%get3A_179, %get3A_180] {strides = array<i32>} : memref<256x64xf32, #tpu.memory_space<vmem>>, vector<1x16xf32>,
        %get3A_182 = vector.shape_cast %get3A_181 : vector<1x16xf32> to vector<16xf32>
        %mul3A_183 = arith.constant 8.000000e+00 : f32
        %mul3A_184 = vector.broadcast %mul3A_183 : f32 to vector<16xf32>
        %mul3A_185 = arith.mulf %get3A_182, %mul3A_184 : vector<16xf32>
        %swap3A_186 = arith.index_cast %scan3A_178 : i32 to index
        %swap3A_187 = arith.constant 0 : index
        %swap3A_188 = tpu.vector_load %arg6[%swap3A_186, %swap3A_187] {strides = array<i32>} : memref<256x64xf32, #tpu.memory_space<vmem>>, vector<1x16xf32>,
        %swap3A_189 = vector.shape_cast %swap3A_188 : vector<1x16xf32> to vector<16xf32>
        %swap3A_190 = vector.shape_cast %mul3A_185 : vector<16xf32> to vector<1x16xf32>
        tpu.vector_store %arg6[%swap3A_186, %swap3A_187], %swap3A_190 {strides = array<i32>} : memref<256x64xf32, #tpu.memory_space<vmem>>, vector<1x16xf32>,
        %get3A_191 = arith.index_cast %scan3A_178 : i32 to index
        %get3A_192 = arith.constant 16 : index
        %get3A_193 = tpu.vector_load %arg6[%get3A_191, %get3A_192] {strides = array<i32>} : memref<256x64xf32, #tpu.memory_space<vmem>>, vector<1x16xf32>,
        %get3A_194 = vector.shape_cast %get3A_193 : vector<1x16xf32> to vector<16xf32>
        %mul3A_195 = arith.constant 8.000000e+00 : f32
        %mul3A_196 = vector.broadcast %mul3A_195 : f32 to vector<16xf32>
        %mul3A_197 = arith.mulf %get3A_194, %mul3A_196 : vector<16xf32>
        %swap3A_198 = arith.index_cast %scan3A_178 : i32 to index
        %swap3A_199 = arith.constant 16 : index
        %swap3A_200 = tpu.vector_load %arg6[%swap3A_198, %swap3A_199] {strides = array<i32>} : memref<256x64xf32, #tpu.memory_space<vmem>>, vector<1x16xf32>,
        %swap3A_201 = vector.shape_cast %swap3A_200 : vector<1x16xf32> to vector<16xf32>
        %swap3A_202 = vector.shape_cast %mul3A_197 : vector<16xf32> to vector<1x16xf32>
        tpu.vector_store %arg6[%swap3A_198, %swap3A_199], %swap3A_202 {strides = array<i32>} : memref<256x64xf32, #tpu.memory_space<vmem>>, vector<1x16xf32>,
        %get3A_203 = arith.index_cast %scan3A_178 : i32 to index
        %get3A_204 = arith.constant 32 : index
        %get3A_205 = tpu.vector_load %arg6[%get3A_203, %get3A_204] {strides = array<i32>} : memref<256x64xf32, #tpu.memory_space<vmem>>, vector<1x16xf32>,
        %get3A_206 = vector.shape_cast %get3A_205 : vector<1x16xf32> to vector<16xf32>
        %mul3A_207 = arith.constant 8.000000e+00 : f32
        %mul3A_208 = vector.broadcast %mul3A_207 : f32 to vector<16xf32>
        %mul3A_209 = arith.mulf %get3A_206, %mul3A_208 : vector<16xf32>
        %swap3A_210 = arith.index_cast %scan3A_178 : i32 to index
        %swap3A_211 = arith.constant 32 : index
        %swap3A_212 = tpu.vector_load %arg6[%swap3A_210, %swap3A_211] {strides = array<i32>} : memref<256x64xf32, #tpu.memory_space<vmem>>, vector<1x16xf32>,
        %swap3A_213 = vector.shape_cast %swap3A_212 : vector<1x16xf32> to vector<16xf32>
        %swap3A_214 = vector.shape_cast %mul3A_209 : vector<16xf32> to vector<1x16xf32>
        tpu.vector_store %arg6[%swap3A_210, %swap3A_211], %swap3A_214 {strides = array<i32>} : memref<256x64xf32, #tpu.memory_space<vmem>>, vector<1x16xf32>,
        %get3A_215 = arith.index_cast %scan3A_178 : i32 to index
        %get3A_216 = arith.constant 48 : index
        %get3A_217 = tpu.vector_load %arg6[%get3A_215, %get3A_216] {strides = array<i32>} : memref<256x64xf32, #tpu.memory_space<vmem>>, vector<1x16xf32>,
        %get3A_218 = vector.shape_cast %get3A_217 : vector<1x16xf32> to vector<16xf32>
        %mul3A_219 = arith.constant 8.000000e+00 : f32
        %mul3A_220 = vector.broadcast %mul3A_219 : f32 to vector<16xf32>
        %mul3A_221 = arith.mulf %get3A_218, %mul3A_220 : vector<16xf32>
        %swap3A_222 = arith.index_cast %scan3A_178 : i32 to index
        %swap3A_223 = arith.constant 48 : index
        %swap3A_224 = tpu.vector_load %arg6[%swap3A_222, %swap3A_223] {strides = array<i32>} : memref<256x64xf32, #tpu.memory_space<vmem>>, vector<1x16xf32>,
        %swap3A_225 = vector.shape_cast %swap3A_224 : vector<1x16xf32> to vector<16xf32>
        %swap3A_226 = vector.shape_cast %mul3A_221 : vector<16xf32> to vector<1x16xf32>
        tpu.vector_store %arg6[%swap3A_222, %swap3A_223], %swap3A_226 {strides = array<i32>} : memref<256x64xf32, #tpu.memory_space<vmem>>, vector<1x16xf32>,
        %scan3A_227 = arith.constant 3 : i32
        %scan3A_228 = arith.addi %scan3A_80, %scan3A_227 : i32
        %get3A_229 = arith.index_cast %scan3A_228 : i32 to index
        %get3A_230 = arith.constant 0 : index
        %get3A_231 = tpu.vector_load %arg6[%get3A_229, %get3A_230] {strides = array<i32>} : memref<256x64xf32, #tpu.memory_space<vmem>>, vector<1x16xf32>,
        %get3A_232 = vector.shape_cast %get3A_231 : vector<1x16xf32> to vector<16xf32>
        %mul3A_233 = arith.constant 8.000000e+00 : f32
        %mul3A_234 = vector.broadcast %mul3A_233 : f32 to vector<16xf32>
        %mul3A_235 = arith.mulf %get3A_232, %mul3A_234 : vector<16xf32>
        %swap3A_236 = arith.index_cast %scan3A_228 : i32 to index
        %swap3A_237 = arith.constant 0 : index
        %swap3A_238 = tpu.vector_load %arg6[%swap3A_236, %swap3A_237] {strides = array<i32>} : memref<256x64xf32, #tpu.memory_space<vmem>>, vector<1x16xf32>,
        %swap3A_239 = vector.shape_cast %swap3A_238 : vector<1x16xf32> to vector<16xf32>
        %swap3A_240 = vector.shape_cast %mul3A_235 : vector<16xf32> to vector<1x16xf32>
        tpu.vector_store %arg6[%swap3A_236, %swap3A_237], %swap3A_240 {strides = array<i32>} : memref<256x64xf32, #tpu.memory_space<vmem>>, vector<1x16xf32>,
        %get3A_241 = arith.index_cast %scan3A_228 : i32 to index
        %get3A_242 = arith.constant 16 : index
        %get3A_243 = tpu.vector_load %arg6[%get3A_241, %get3A_242] {strides = array<i32>} : memref<256x64xf32, #tpu.memory_space<vmem>>, vector<1x16xf32>,
        %get3A_244 = vector.shape_cast %get3A_243 : vector<1x16xf32> to vector<16xf32>
        %mul3A_245 = arith.constant 8.000000e+00 : f32
        %mul3A_246 = vector.broadcast %mul3A_245 : f32 to vector<16xf32>
        %mul3A_247 = arith.mulf %get3A_244, %mul3A_246 : vector<16xf32>
        %swap3A_248 = arith.index_cast %scan3A_228 : i32 to index
        %swap3A_249 = arith.constant 16 : index
        %swap3A_250 = tpu.vector_load %arg6[%swap3A_248, %swap3A_249] {strides = array<i32>} : memref<256x64xf32, #tpu.memory_space<vmem>>, vector<1x16xf32>,
        %swap3A_251 = vector.shape_cast %swap3A_250 : vector<1x16xf32> to vector<16xf32>
        %swap3A_252 = vector.shape_cast %mul3A_247 : vector<16xf32> to vector<1x16xf32>
        tpu.vector_store %arg6[%swap3A_248, %swap3A_249], %swap3A_252 {strides = array<i32>} : memref<256x64xf32, #tpu.memory_space<vmem>>, vector<1x16xf32>,
        %get3A_253 = arith.index_cast %scan3A_228 : i32 to index
        %get3A_254 = arith.constant 32 : index
        %get3A_255 = tpu.vector_load %arg6[%get3A_253, %get3A_254] {strides = array<i32>} : memref<256x64xf32, #tpu.memory_space<vmem>>, vector<1x16xf32>,
        %get3A_256 = vector.shape_cast %get3A_255 : vector<1x16xf32> to vector<16xf32>
        %mul3A_257 = arith.constant 8.000000e+00 : f32
        %mul3A_258 = vector.broadcast %mul3A_257 : f32 to vector<16xf32>
        %mul3A_259 = arith.mulf %get3A_256, %mul3A_258 : vector<16xf32>
        %swap3A_260 = arith.index_cast %scan3A_228 : i32 to index
        %swap3A_261 = arith.constant 32 : index
        %swap3A_262 = tpu.vector_load %arg6[%swap3A_260, %swap3A_261] {strides = array<i32>} : memref<256x64xf32, #tpu.memory_space<vmem>>, vector<1x16xf32>,
        %swap3A_263 = vector.shape_cast %swap3A_262 : vector<1x16xf32> to vector<16xf32>
        %swap3A_264 = vector.shape_cast %mul3A_259 : vector<16xf32> to vector<1x16xf32>
        tpu.vector_store %arg6[%swap3A_260, %swap3A_261], %swap3A_264 {strides = array<i32>} : memref<256x64xf32, #tpu.memory_space<vmem>>, vector<1x16xf32>,
        %get3A_265 = arith.index_cast %scan3A_228 : i32 to index
        %get3A_266 = arith.constant 48 : index
        %get3A_267 = tpu.vector_load %arg6[%get3A_265, %get3A_266] {strides = array<i32>} : memref<256x64xf32, #tpu.memory_space<vmem>>, vector<1x16xf32>,
        %get3A_268 = vector.shape_cast %get3A_267 : vector<1x16xf32> to vector<16xf32>
        %mul3A_269 = arith.constant 8.000000e+00 : f32
        %mul3A_270 = vector.broadcast %mul3A_269 : f32 to vector<16xf32>
        %mul3A_271 = arith.mulf %get3A_268, %mul3A_270 : vector<16xf32>
        %swap3A_272 = arith.index_cast %scan3A_228 : i32 to index
        %swap3A_273 = arith.constant 48 : index
        %swap3A_274 = tpu.vector_load %arg6[%swap3A_272, %swap3A_273] {strides = array<i32>} : memref<256x64xf32, #tpu.memory_space<vmem>>, vector<1x16xf32>,
        %swap3A_275 = vector.shape_cast %swap3A_274 : vector<1x16xf32> to vector<16xf32>
        %swap3A_276 = vector.shape_cast %mul3A_271 : vector<16xf32> to vector<1x16xf32>
        tpu.vector_store %arg6[%swap3A_272, %swap3A_273], %swap3A_276 {strides = array<i32>} : memref<256x64xf32, #tpu.memory_space<vmem>>, vector<1x16xf32>,
      }
      %scan3A_44 = arith.constant 256 : i32
      %mul3A_45 = arith.constant 256 : i32
      %mul3A_46 = arith.muli %add3A_28, %mul3A_45 : i32
      %add3A_47 = arith.addi %mul3A_2, %mul3A_46 : i32
      %dma_start3A_48 = arith.constant 0 : i32
      %dma_start3A_49 = tpu.memref_slice %arg4[%add3A_47, %dma_start3A_48] : memref<409600x64xf32, #tpu.memory_space<hbm>> -> memref<256x64xf32, #tpu.memory_space<hbm>>
      %dma_start3A_50 = arith.constant 0 : i32
      %dma_start3A_51 = tpu.memref_slice %arg4[%add3A_47, %dma_start3A_50] : memref<409600x64xf32, #tpu.memory_space<hbm>> -> memref<256x64xf32, #tpu.memory_space<hbm>>
      tpu.enqueue_dma source(%arg6 : memref<256x64xf32, #tpu.memory_space<vmem>>) target(%dma_start3A_51 : memref<256x64xf32, #tpu.memory_space<hbm>>) target_semaphore(%arg10 : memref<!tpu.dma_semaphore, #tpu.memory_space<semaphore_mem>>)
      %add3A_52 = arith.constant 1 : i32
      %add3A_53 = arith.addi %add3A_26, %add3A_52 : i32
      %add3A_54 = arith.constant 1 : i32
      %add3A_55 = arith.addi %add3A_53, %add3A_54 : i32
      %lt3A_56 = arith.constant 50 : i32
      %lt3A_57 = arith.cmpi slt, %add3A_55, %lt3A_56 : i32
      %convert_element_type3A_58 = arith.extui %lt3A_57 : i1 to i32
      %cond3A_59 = arith.constant 0 : i32
      %cond3A_60 = arith.cmpi ne, %convert_element_type3A_58, %cond3A_59 : i32
      scf.if %cond3A_60 {
        %ge3A = arith.constant 2 : i32
        %ge3A_80 = arith.cmpi sge, %add3A_55, %ge3A : i32
        %convert_element_type3A_81 = arith.extui %ge3A_80 : i1 to i32
        %cond3A_82 = arith.constant 0 : i32
        %cond3A_83 = arith.cmpi ne, %convert_element_type3A_81, %cond3A_82 : i32
        scf.if %cond3A_83 {
          %sub3A = arith.constant 2 : i32
          %sub3A_90 = arith.subi %add3A_55, %sub3A : i32
          %mul3A_91 = arith.constant 256 : i32
          %mul3A_92 = arith.muli %sub3A_90, %mul3A_91 : i32
          %add3A_93 = arith.addi %mul3A_2, %mul3A_92 : i32
          %dma_wait3A_94 = arith.constant 0 : i32
          %dma_wait3A_95 = tpu.memref_slice %arg4[%add3A_93, %dma_wait3A_94] : memref<409600x64xf32, #tpu.memory_space<hbm>> -> memref<256x64xf32, #tpu.memory_space<hbm>>
          %dma_wait3A_96 = arith.constant 0 : i32
          %dma_wait3A_97 = tpu.memref_slice %arg4[%add3A_93, %dma_wait3A_96] : memref<409600x64xf32, #tpu.memory_space<hbm>> -> memref<256x64xf32, #tpu.memory_space<hbm>>
          tpu.wait_dma2 semaphore(%arg10 : memref<!tpu.dma_semaphore, #tpu.memory_space<semaphore_mem>>) src(%arg6 : memref<256x64xf32, #tpu.memory_space<vmem>>) dst(%dma_wait3A_97 : memref<256x64xf32, #tpu.memory_space<hbm>>)
        } else {
        }
        %mul3A_84 = arith.constant 256 : i32
        %mul3A_85 = arith.muli %add3A_55, %mul3A_84 : i32
        %dma_start3A_86 = tpu.memref_slice %arg5[%mul3A_85] : memref<12800xi32, #tpu.memory_space<vmem>> -> memref<256xi32, #tpu.memory_space<vmem>>
        %dma_start3A_87 = arith.constant 0 : i32
        %dma_start3A_88 = arith.constant 0 : i32
        %dma_start3A_89 = tpu.memref_slice %arg3[%dma_start3A_87, %dma_start3A_88] : memref<1000000x64xf32, #tpu.memory_space<hbm>> -> memref<1000000x64xf32, #tpu.memory_space<hbm>>
        tpu.enqueue_indirect_dma source(%dma_start3A_89 : memref<1000000x64xf32, #tpu.memory_space<hbm>>) target(%arg6 : memref<256x64xf32, #tpu.memory_space<vmem>>) offsets(%dma_start3A_86 : memref<256xi32, #tpu.memory_space<vmem>>) semaphore(%arg8 : memref<!tpu.dma_semaphore, #tpu.memory_space<semaphore_mem>>)
      } else {
      }
      %mul3A_61 = arith.constant 256 : i32
      %mul3A_62 = arith.muli %add3A_53, %mul3A_61 : i32
      %dma_wait3A_63 = tpu.memref_slice %arg5[%mul3A_62] : memref<12800xi32, #tpu.memory_space<vmem>> -> memref<256xi32, #tpu.memory_space<vmem>>
      %dma_wait3A_64 = arith.constant 0 : i32
      %dma_wait3A_65 = arith.constant 0 : i32
      %dma_wait3A_66 = tpu.memref_slice %arg3[%dma_wait3A_64, %dma_wait3A_65] : memref<1000000x64xf32, #tpu.memory_space<hbm>> -> memref<1000000x64xf32, #tpu.memory_space<hbm>>
      tpu.wait_indirect_dma semaphore(%arg9 : memref<!tpu.dma_semaphore, #tpu.memory_space<semaphore_mem>>) src(%dma_wait3A_66 : memref<1000000x64xf32, #tpu.memory_space<hbm>>) dst(%arg7 : memref<256x64xf32, #tpu.memory_space<vmem>>)
      %scan3A_67 = arith.constant 0 : i32
      %scan3A_68 = arith.constant 0 : i32
      %scan3A_69 = arith.constant 256 : i32
      %scan3A_70 = arith.addi %scan3A_68, %scan3A_69 : i32
      %scan3A_71 = arith.constant 4 : i32
      scf.for %scan3A_80 = %scan3A_68 to %scan3A_70 step %scan3A_71  : i32 {
        %get3A = arith.index_cast %scan3A_80 : i32 to index
        %get3A_81 = arith.constant 0 : index
        %get3A_82 = tpu.vector_load %arg7[%get3A, %get3A_81] {strides = array<i32>} : memref<256x64xf32, #tpu.memory_space<vmem>>, vector<1x16xf32>,
        %get3A_83 = vector.shape_cast %get3A_82 : vector<1x16xf32> to vector<16xf32>
        %mul3A_84 = arith.constant 8.000000e+00 : f32
        %mul3A_85 = vector.broadcast %mul3A_84 : f32 to vector<16xf32>
        %mul3A_86 = arith.mulf %get3A_83, %mul3A_85 : vector<16xf32>
        %swap3A = arith.index_cast %scan3A_80 : i32 to index
        %swap3A_87 = arith.constant 0 : index
        %swap3A_88 = tpu.vector_load %arg7[%swap3A, %swap3A_87] {strides = array<i32>} : memref<256x64xf32, #tpu.memory_space<vmem>>, vector<1x16xf32>,
        %swap3A_89 = vector.shape_cast %swap3A_88 : vector<1x16xf32> to vector<16xf32>
        %swap3A_90 = vector.shape_cast %mul3A_86 : vector<16xf32> to vector<1x16xf32>
        tpu.vector_store %arg7[%swap3A, %swap3A_87], %swap3A_90 {strides = array<i32>} : memref<256x64xf32, #tpu.memory_space<vmem>>, vector<1x16xf32>,
        %get3A_91 = arith.index_cast %scan3A_80 : i32 to index
        %get3A_92 = arith.constant 16 : index
        %get3A_93 = tpu.vector_load %arg7[%get3A_91, %get3A_92] {strides = array<i32>} : memref<256x64xf32, #tpu.memory_space<vmem>>, vector<1x16xf32>,
        %get3A_94 = vector.shape_cast %get3A_93 : vector<1x16xf32> to vector<16xf32>
        %mul3A_95 = arith.constant 8.000000e+00 : f32
        %mul3A_96 = vector.broadcast %mul3A_95 : f32 to vector<16xf32>
        %mul3A_97 = arith.mulf %get3A_94, %mul3A_96 : vector<16xf32>
        %swap3A_98 = arith.index_cast %scan3A_80 : i32 to index
        %swap3A_99 = arith.constant 16 : index
        %swap3A_100 = tpu.vector_load %arg7[%swap3A_98, %swap3A_99] {strides = array<i32>} : memref<256x64xf32, #tpu.memory_space<vmem>>, vector<1x16xf32>,
        %swap3A_101 = vector.shape_cast %swap3A_100 : vector<1x16xf32> to vector<16xf32>
        %swap3A_102 = vector.shape_cast %mul3A_97 : vector<16xf32> to vector<1x16xf32>
        tpu.vector_store %arg7[%swap3A_98, %swap3A_99], %swap3A_102 {strides = array<i32>} : memref<256x64xf32, #tpu.memory_space<vmem>>, vector<1x16xf32>,
        %get3A_103 = arith.index_cast %scan3A_80 : i32 to index
        %get3A_104 = arith.constant 32 : index
        %get3A_105 = tpu.vector_load %arg7[%get3A_103, %get3A_104] {strides = array<i32>} : memref<256x64xf32, #tpu.memory_space<vmem>>, vector<1x16xf32>,
        %get3A_106 = vector.shape_cast %get3A_105 : vector<1x16xf32> to vector<16xf32>
        %mul3A_107 = arith.constant 8.000000e+00 : f32
        %mul3A_108 = vector.broadcast %mul3A_107 : f32 to vector<16xf32>
        %mul3A_109 = arith.mulf %get3A_106, %mul3A_108 : vector<16xf32>
        %swap3A_110 = arith.index_cast %scan3A_80 : i32 to index
        %swap3A_111 = arith.constant 32 : index
        %swap3A_112 = tpu.vector_load %arg7[%swap3A_110, %swap3A_111] {strides = array<i32>} : memref<256x64xf32, #tpu.memory_space<vmem>>, vector<1x16xf32>,
        %swap3A_113 = vector.shape_cast %swap3A_112 : vector<1x16xf32> to vector<16xf32>
        %swap3A_114 = vector.shape_cast %mul3A_109 : vector<16xf32> to vector<1x16xf32>
        tpu.vector_store %arg7[%swap3A_110, %swap3A_111], %swap3A_114 {strides = array<i32>} : memref<256x64xf32, #tpu.memory_space<vmem>>, vector<1x16xf32>,
        %get3A_115 = arith.index_cast %scan3A_80 : i32 to index
        %get3A_116 = arith.constant 48 : index
        %get3A_117 = tpu.vector_load %arg7[%get3A_115, %get3A_116] {strides = array<i32>} : memref<256x64xf32, #tpu.memory_space<vmem>>, vector<1x16xf32>,
        %get3A_118 = vector.shape_cast %get3A_117 : vector<1x16xf32> to vector<16xf32>
        %mul3A_119 = arith.constant 8.000000e+00 : f32
        %mul3A_120 = vector.broadcast %mul3A_119 : f32 to vector<16xf32>
        %mul3A_121 = arith.mulf %get3A_118, %mul3A_120 : vector<16xf32>
        %swap3A_122 = arith.index_cast %scan3A_80 : i32 to index
        %swap3A_123 = arith.constant 48 : index
        %swap3A_124 = tpu.vector_load %arg7[%swap3A_122, %swap3A_123] {strides = array<i32>} : memref<256x64xf32, #tpu.memory_space<vmem>>, vector<1x16xf32>,
        %swap3A_125 = vector.shape_cast %swap3A_124 : vector<1x16xf32> to vector<16xf32>
        %swap3A_126 = vector.shape_cast %mul3A_121 : vector<16xf32> to vector<1x16xf32>
        tpu.vector_store %arg7[%swap3A_122, %swap3A_123], %swap3A_126 {strides = array<i32>} : memref<256x64xf32, #tpu.memory_space<vmem>>, vector<1x16xf32>,
        %scan3A_127 = arith.constant 1 : i32
        %scan3A_128 = arith.addi %scan3A_80, %scan3A_127 : i32
        %get3A_129 = arith.index_cast %scan3A_128 : i32 to index
        %get3A_130 = arith.constant 0 : index
        %get3A_131 = tpu.vector_load %arg7[%get3A_129, %get3A_130] {strides = array<i32>} : memref<256x64xf32, #tpu.memory_space<vmem>>, vector<1x16xf32>,
        %get3A_132 = vector.shape_cast %get3A_131 : vector<1x16xf32> to vector<16xf32>
        %mul3A_133 = arith.constant 8.000000e+00 : f32
        %mul3A_134 = vector.broadcast %mul3A_133 : f32 to vector<16xf32>
        %mul3A_135 = arith.mulf %get3A_132, %mul3A_134 : vector<16xf32>
        %swap3A_136 = arith.index_cast %scan3A_128 : i32 to index
        %swap3A_137 = arith.constant 0 : index
        %swap3A_138 = tpu.vector_load %arg7[%swap3A_136, %swap3A_137] {strides = array<i32>} : memref<256x64xf32, #tpu.memory_space<vmem>>, vector<1x16xf32>,
        %swap3A_139 = vector.shape_cast %swap3A_138 : vector<1x16xf32> to vector<16xf32>
        %swap3A_140 = vector.shape_cast %mul3A_135 : vector<16xf32> to vector<1x16xf32>
        tpu.vector_store %arg7[%swap3A_136, %swap3A_137], %swap3A_140 {strides = array<i32>} : memref<256x64xf32, #tpu.memory_space<vmem>>, vector<1x16xf32>,
        %get3A_141 = arith.index_cast %scan3A_128 : i32 to index
        %get3A_142 = arith.constant 16 : index
        %get3A_143 = tpu.vector_load %arg7[%get3A_141, %get3A_142] {strides = array<i32>} : memref<256x64xf32, #tpu.memory_space<vmem>>, vector<1x16xf32>,
        %get3A_144 = vector.shape_cast %get3A_143 : vector<1x16xf32> to vector<16xf32>
        %mul3A_145 = arith.constant 8.000000e+00 : f32
        %mul3A_146 = vector.broadcast %mul3A_145 : f32 to vector<16xf32>
        %mul3A_147 = arith.mulf %get3A_144, %mul3A_146 : vector<16xf32>
        %swap3A_148 = arith.index_cast %scan3A_128 : i32 to index
        %swap3A_149 = arith.constant 16 : index
        %swap3A_150 = tpu.vector_load %arg7[%swap3A_148, %swap3A_149] {strides = array<i32>} : memref<256x64xf32, #tpu.memory_space<vmem>>, vector<1x16xf32>,
        %swap3A_151 = vector.shape_cast %swap3A_150 : vector<1x16xf32> to vector<16xf32>
        %swap3A_152 = vector.shape_cast %mul3A_147 : vector<16xf32> to vector<1x16xf32>
        tpu.vector_store %arg7[%swap3A_148, %swap3A_149], %swap3A_152 {strides = array<i32>} : memref<256x64xf32, #tpu.memory_space<vmem>>, vector<1x16xf32>,
        %get3A_153 = arith.index_cast %scan3A_128 : i32 to index
        %get3A_154 = arith.constant 32 : index
        %get3A_155 = tpu.vector_load %arg7[%get3A_153, %get3A_154] {strides = array<i32>} : memref<256x64xf32, #tpu.memory_space<vmem>>, vector<1x16xf32>,
        %get3A_156 = vector.shape_cast %get3A_155 : vector<1x16xf32> to vector<16xf32>
        %mul3A_157 = arith.constant 8.000000e+00 : f32
        %mul3A_158 = vector.broadcast %mul3A_157 : f32 to vector<16xf32>
        %mul3A_159 = arith.mulf %get3A_156, %mul3A_158 : vector<16xf32>
        %swap3A_160 = arith.index_cast %scan3A_128 : i32 to index
        %swap3A_161 = arith.constant 32 : index
        %swap3A_162 = tpu.vector_load %arg7[%swap3A_160, %swap3A_161] {strides = array<i32>} : memref<256x64xf32, #tpu.memory_space<vmem>>, vector<1x16xf32>,
        %swap3A_163 = vector.shape_cast %swap3A_162 : vector<1x16xf32> to vector<16xf32>
        %swap3A_164 = vector.shape_cast %mul3A_159 : vector<16xf32> to vector<1x16xf32>
        tpu.vector_store %arg7[%swap3A_160, %swap3A_161], %swap3A_164 {strides = array<i32>} : memref<256x64xf32, #tpu.memory_space<vmem>>, vector<1x16xf32>,
        %get3A_165 = arith.index_cast %scan3A_128 : i32 to index
        %get3A_166 = arith.constant 48 : index
        %get3A_167 = tpu.vector_load %arg7[%get3A_165, %get3A_166] {strides = array<i32>} : memref<256x64xf32, #tpu.memory_space<vmem>>, vector<1x16xf32>,
        %get3A_168 = vector.shape_cast %get3A_167 : vector<1x16xf32> to vector<16xf32>
        %mul3A_169 = arith.constant 8.000000e+00 : f32
        %mul3A_170 = vector.broadcast %mul3A_169 : f32 to vector<16xf32>
        %mul3A_171 = arith.mulf %get3A_168, %mul3A_170 : vector<16xf32>
        %swap3A_172 = arith.index_cast %scan3A_128 : i32 to index
        %swap3A_173 = arith.constant 48 : index
        %swap3A_174 = tpu.vector_load %arg7[%swap3A_172, %swap3A_173] {strides = array<i32>} : memref<256x64xf32, #tpu.memory_space<vmem>>, vector<1x16xf32>,
        %swap3A_175 = vector.shape_cast %swap3A_174 : vector<1x16xf32> to vector<16xf32>
        %swap3A_176 = vector.shape_cast %mul3A_171 : vector<16xf32> to vector<1x16xf32>
        tpu.vector_store %arg7[%swap3A_172, %swap3A_173], %swap3A_176 {strides = array<i32>} : memref<256x64xf32, #tpu.memory_space<vmem>>, vector<1x16xf32>,
        %scan3A_177 = arith.constant 2 : i32
        %scan3A_178 = arith.addi %scan3A_80, %scan3A_177 : i32
        %get3A_179 = arith.index_cast %scan3A_178 : i32 to index
        %get3A_180 = arith.constant 0 : index
        %get3A_181 = tpu.vector_load %arg7[%get3A_179, %get3A_180] {strides = array<i32>} : memref<256x64xf32, #tpu.memory_space<vmem>>, vector<1x16xf32>,
        %get3A_182 = vector.shape_cast %get3A_181 : vector<1x16xf32> to vector<16xf32>
        %mul3A_183 = arith.constant 8.000000e+00 : f32
        %mul3A_184 = vector.broadcast %mul3A_183 : f32 to vector<16xf32>
        %mul3A_185 = arith.mulf %get3A_182, %mul3A_184 : vector<16xf32>
        %swap3A_186 = arith.index_cast %scan3A_178 : i32 to index
        %swap3A_187 = arith.constant 0 : index
        %swap3A_188 = tpu.vector_load %arg7[%swap3A_186, %swap3A_187] {strides = array<i32>} : memref<256x64xf32, #tpu.memory_space<vmem>>, vector<1x16xf32>,
        %swap3A_189 = vector.shape_cast %swap3A_188 : vector<1x16xf32> to vector<16xf32>
        %swap3A_190 = vector.shape_cast %mul3A_185 : vector<16xf32> to vector<1x16xf32>
        tpu.vector_store %arg7[%swap3A_186, %swap3A_187], %swap3A_190 {strides = array<i32>} : memref<256x64xf32, #tpu.memory_space<vmem>>, vector<1x16xf32>,
        %get3A_191 = arith.index_cast %scan3A_178 : i32 to index
        %get3A_192 = arith.constant 16 : index
        %get3A_193 = tpu.vector_load %arg7[%get3A_191, %get3A_192] {strides = array<i32>} : memref<256x64xf32, #tpu.memory_space<vmem>>, vector<1x16xf32>,
        %get3A_194 = vector.shape_cast %get3A_193 : vector<1x16xf32> to vector<16xf32>
        %mul3A_195 = arith.constant 8.000000e+00 : f32
        %mul3A_196 = vector.broadcast %mul3A_195 : f32 to vector<16xf32>
        %mul3A_197 = arith.mulf %get3A_194, %mul3A_196 : vector<16xf32>
        %swap3A_198 = arith.index_cast %scan3A_178 : i32 to index
        %swap3A_199 = arith.constant 16 : index
        %swap3A_200 = tpu.vector_load %arg7[%swap3A_198, %swap3A_199] {strides = array<i32>} : memref<256x64xf32, #tpu.memory_space<vmem>>, vector<1x16xf32>,
        %swap3A_201 = vector.shape_cast %swap3A_200 : vector<1x16xf32> to vector<16xf32>
        %swap3A_202 = vector.shape_cast %mul3A_197 : vector<16xf32> to vector<1x16xf32>
        tpu.vector_store %arg7[%swap3A_198, %swap3A_199], %swap3A_202 {strides = array<i32>} : memref<256x64xf32, #tpu.memory_space<vmem>>, vector<1x16xf32>,
        %get3A_203 = arith.index_cast %scan3A_178 : i32 to index
        %get3A_204 = arith.constant 32 : index
        %get3A_205 = tpu.vector_load %arg7[%get3A_203, %get3A_204] {strides = array<i32>} : memref<256x64xf32, #tpu.memory_space<vmem>>, vector<1x16xf32>,
        %get3A_206 = vector.shape_cast %get3A_205 : vector<1x16xf32> to vector<16xf32>
        %mul3A_207 = arith.constant 8.000000e+00 : f32
        %mul3A_208 = vector.broadcast %mul3A_207 : f32 to vector<16xf32>
        %mul3A_209 = arith.mulf %get3A_206, %mul3A_208 : vector<16xf32>
        %swap3A_210 = arith.index_cast %scan3A_178 : i32 to index
        %swap3A_211 = arith.constant 32 : index
        %swap3A_212 = tpu.vector_load %arg7[%swap3A_210, %swap3A_211] {strides = array<i32>} : memref<256x64xf32, #tpu.memory_space<vmem>>, vector<1x16xf32>,
        %swap3A_213 = vector.shape_cast %swap3A_212 : vector<1x16xf32> to vector<16xf32>
        %swap3A_214 = vector.shape_cast %mul3A_209 : vector<16xf32> to vector<1x16xf32>
        tpu.vector_store %arg7[%swap3A_210, %swap3A_211], %swap3A_214 {strides = array<i32>} : memref<256x64xf32, #tpu.memory_space<vmem>>, vector<1x16xf32>,
        %get3A_215 = arith.index_cast %scan3A_178 : i32 to index
        %get3A_216 = arith.constant 48 : index
        %get3A_217 = tpu.vector_load %arg7[%get3A_215, %get3A_216] {strides = array<i32>} : memref<256x64xf32, #tpu.memory_space<vmem>>, vector<1x16xf32>,
        %get3A_218 = vector.shape_cast %get3A_217 : vector<1x16xf32> to vector<16xf32>
        %mul3A_219 = arith.constant 8.000000e+00 : f32
        %mul3A_220 = vector.broadcast %mul3A_219 : f32 to vector<16xf32>
        %mul3A_221 = arith.mulf %get3A_218, %mul3A_220 : vector<16xf32>
        %swap3A_222 = arith.index_cast %scan3A_178 : i32 to index
        %swap3A_223 = arith.constant 48 : index
        %swap3A_224 = tpu.vector_load %arg7[%swap3A_222, %swap3A_223] {strides = array<i32>} : memref<256x64xf32, #tpu.memory_space<vmem>>, vector<1x16xf32>,
        %swap3A_225 = vector.shape_cast %swap3A_224 : vector<1x16xf32> to vector<16xf32>
        %swap3A_226 = vector.shape_cast %mul3A_221 : vector<16xf32> to vector<1x16xf32>
        tpu.vector_store %arg7[%swap3A_222, %swap3A_223], %swap3A_226 {strides = array<i32>} : memref<256x64xf32, #tpu.memory_space<vmem>>, vector<1x16xf32>,
        %scan3A_227 = arith.constant 3 : i32
        %scan3A_228 = arith.addi %scan3A_80, %scan3A_227 : i32
        %get3A_229 = arith.index_cast %scan3A_228 : i32 to index
        %get3A_230 = arith.constant 0 : index
        %get3A_231 = tpu.vector_load %arg7[%get3A_229, %get3A_230] {strides = array<i32>} : memref<256x64xf32, #tpu.memory_space<vmem>>, vector<1x16xf32>,
        %get3A_232 = vector.shape_cast %get3A_231 : vector<1x16xf32> to vector<16xf32>
        %mul3A_233 = arith.constant 8.000000e+00 : f32
        %mul3A_234 = vector.broadcast %mul3A_233 : f32 to vector<16xf32>
        %mul3A_235 = arith.mulf %get3A_232, %mul3A_234 : vector<16xf32>
        %swap3A_236 = arith.index_cast %scan3A_228 : i32 to index
        %swap3A_237 = arith.constant 0 : index
        %swap3A_238 = tpu.vector_load %arg7[%swap3A_236, %swap3A_237] {strides = array<i32>} : memref<256x64xf32, #tpu.memory_space<vmem>>, vector<1x16xf32>,
        %swap3A_239 = vector.shape_cast %swap3A_238 : vector<1x16xf32> to vector<16xf32>
        %swap3A_240 = vector.shape_cast %mul3A_235 : vector<16xf32> to vector<1x16xf32>
        tpu.vector_store %arg7[%swap3A_236, %swap3A_237], %swap3A_240 {strides = array<i32>} : memref<256x64xf32, #tpu.memory_space<vmem>>, vector<1x16xf32>,
        %get3A_241 = arith.index_cast %scan3A_228 : i32 to index
        %get3A_242 = arith.constant 16 : index
        %get3A_243 = tpu.vector_load %arg7[%get3A_241, %get3A_242] {strides = array<i32>} : memref<256x64xf32, #tpu.memory_space<vmem>>, vector<1x16xf32>,
        %get3A_244 = vector.shape_cast %get3A_243 : vector<1x16xf32> to vector<16xf32>
        %mul3A_245 = arith.constant 8.000000e+00 : f32
        %mul3A_246 = vector.broadcast %mul3A_245 : f32 to vector<16xf32>
        %mul3A_247 = arith.mulf %get3A_244, %mul3A_246 : vector<16xf32>
        %swap3A_248 = arith.index_cast %scan3A_228 : i32 to index
        %swap3A_249 = arith.constant 16 : index
        %swap3A_250 = tpu.vector_load %arg7[%swap3A_248, %swap3A_249] {strides = array<i32>} : memref<256x64xf32, #tpu.memory_space<vmem>>, vector<1x16xf32>,
        %swap3A_251 = vector.shape_cast %swap3A_250 : vector<1x16xf32> to vector<16xf32>
        %swap3A_252 = vector.shape_cast %mul3A_247 : vector<16xf32> to vector<1x16xf32>
        tpu.vector_store %arg7[%swap3A_248, %swap3A_249], %swap3A_252 {strides = array<i32>} : memref<256x64xf32, #tpu.memory_space<vmem>>, vector<1x16xf32>,
        %get3A_253 = arith.index_cast %scan3A_228 : i32 to index
        %get3A_254 = arith.constant 32 : index
        %get3A_255 = tpu.vector_load %arg7[%get3A_253, %get3A_254] {strides = array<i32>} : memref<256x64xf32, #tpu.memory_space<vmem>>, vector<1x16xf32>,
        %get3A_256 = vector.shape_cast %get3A_255 : vector<1x16xf32> to vector<16xf32>
        %mul3A_257 = arith.constant 8.000000e+00 : f32
        %mul3A_258 = vector.broadcast %mul3A_257 : f32 to vector<16xf32>
        %mul3A_259 = arith.mulf %get3A_256, %mul3A_258 : vector<16xf32>
        %swap3A_260 = arith.index_cast %scan3A_228 : i32 to index
        %swap3A_261 = arith.constant 32 : index
        %swap3A_262 = tpu.vector_load %arg7[%swap3A_260, %swap3A_261] {strides = array<i32>} : memref<256x64xf32, #tpu.memory_space<vmem>>, vector<1x16xf32>,
        %swap3A_263 = vector.shape_cast %swap3A_262 : vector<1x16xf32> to vector<16xf32>
        %swap3A_264 = vector.shape_cast %mul3A_259 : vector<16xf32> to vector<1x16xf32>
        tpu.vector_store %arg7[%swap3A_260, %swap3A_261], %swap3A_264 {strides = array<i32>} : memref<256x64xf32, #tpu.memory_space<vmem>>, vector<1x16xf32>,
        %get3A_265 = arith.index_cast %scan3A_228 : i32 to index
        %get3A_266 = arith.constant 48 : index
        %get3A_267 = tpu.vector_load %arg7[%get3A_265, %get3A_266] {strides = array<i32>} : memref<256x64xf32, #tpu.memory_space<vmem>>, vector<1x16xf32>,
        %get3A_268 = vector.shape_cast %get3A_267 : vector<1x16xf32> to vector<16xf32>
        %mul3A_269 = arith.constant 8.000000e+00 : f32
        %mul3A_270 = vector.broadcast %mul3A_269 : f32 to vector<16xf32>
        %mul3A_271 = arith.mulf %get3A_268, %mul3A_270 : vector<16xf32>
        %swap3A_272 = arith.index_cast %scan3A_228 : i32 to index
        %swap3A_273 = arith.constant 48 : index
        %swap3A_274 = tpu.vector_load %arg7[%swap3A_272, %swap3A_273] {strides = array<i32>} : memref<256x64xf32, #tpu.memory_space<vmem>>, vector<1x16xf32>,
        %swap3A_275 = vector.shape_cast %swap3A_274 : vector<1x16xf32> to vector<16xf32>
        %swap3A_276 = vector.shape_cast %mul3A_271 : vector<16xf32> to vector<1x16xf32>
        tpu.vector_store %arg7[%swap3A_272, %swap3A_273], %swap3A_276 {strides = array<i32>} : memref<256x64xf32, #tpu.memory_space<vmem>>, vector<1x16xf32>,
      }
      %scan3A_72 = arith.constant 256 : i32
      %mul3A_73 = arith.constant 256 : i32
      %mul3A_74 = arith.muli %add3A_53, %mul3A_73 : i32
      %add3A_75 = arith.addi %mul3A_2, %mul3A_74 : i32
      %dma_start3A_76 = arith.constant 0 : i32
      %dma_start3A_77 = tpu.memref_slice %arg4[%add3A_75, %dma_start3A_76] : memref<409600x64xf32, #tpu.memory_space<hbm>> -> memref<256x64xf32, #tpu.memory_space<hbm>>
      %dma_start3A_78 = arith.constant 0 : i32
      %dma_start3A_79 = tpu.memref_slice %arg4[%add3A_75, %dma_start3A_78] : memref<409600x64xf32, #tpu.memory_space<hbm>> -> memref<256x64xf32, #tpu.memory_space<hbm>>
      tpu.enqueue_dma source(%arg7 : memref<256x64xf32, #tpu.memory_space<vmem>>) target(%dma_start3A_79 : memref<256x64xf32, #tpu.memory_space<hbm>>) target_semaphore(%arg11 : memref<!tpu.dma_semaphore, #tpu.memory_space<semaphore_mem>>)
    }
    %scan3A_10 = arith.constant 25 : i32
    %add3A_11 = arith.constant 12288 : i32
    %add3A_12 = arith.addi %mul3A_2, %add3A_11 : i32
    %dma_wait3A = arith.constant 0 : i32
    %dma_wait3A_13 = tpu.memref_slice %arg4[%add3A_12, %dma_wait3A] : memref<409600x64xf32, #tpu.memory_space<hbm>> -> memref<256x64xf32, #tpu.memory_space<hbm>>
    %dma_wait3A_14 = arith.constant 0 : i32
    %dma_wait3A_15 = tpu.memref_slice %arg4[%add3A_12, %dma_wait3A_14] : memref<409600x64xf32, #tpu.memory_space<hbm>> -> memref<256x64xf32, #tpu.memory_space<hbm>>
    tpu.wait_dma2 semaphore(%arg10 : memref<!tpu.dma_semaphore, #tpu.memory_space<semaphore_mem>>) src(%arg6 : memref<256x64xf32, #tpu.memory_space<vmem>>) dst(%dma_wait3A_15 : memref<256x64xf32, #tpu.memory_space<hbm>>)
    %add3A_16 = arith.constant 12544 : i32
    %add3A_17 = arith.addi %mul3A_2, %add3A_16 : i32
    %dma_wait3A_18 = arith.constant 0 : i32
    %dma_wait3A_19 = tpu.memref_slice %arg4[%add3A_17, %dma_wait3A_18] : memref<409600x64xf32, #tpu.memory_space<hbm>> -> memref<256x64xf32, #tpu.memory_space<hbm>>
    %dma_wait3A_20 = arith.constant 0 : i32
    %dma_wait3A_21 = tpu.memref_slice %arg4[%add3A_17, %dma_wait3A_20] : memref<409600x64xf32, #tpu.memory_space<hbm>> -> memref<256x64xf32, #tpu.memory_space<hbm>>
    tpu.wait_dma2 semaphore(%arg11 : memref<!tpu.dma_semaphore, #tpu.memory_space<semaphore_mem>>) src(%arg7 : memref<256x64xf32, #tpu.memory_space<vmem>>) dst(%dma_wait3A_21 : memref<256x64xf32, #tpu.memory_space<hbm>>)
    return
  }
}

</mosaic_0001>

<sc_bundles>
// kernel: kernel.4.cloned.1.call-start
scs
__scs_entry_jumppad:
0x0: {  	(pc) =	sbr.rel $0x88, $3  }
0x1: {  	(tag) =	ssettag $0x0;
	lr =	simm.s32 $0x1  }
0x2: {  	[smem:$0x3F9F] =	sst lr;
	_ =	strace $0xD0000000  }
0x3: {  	_ = 	snop  }
0x4: {  	_ = 	snop  }
0x5: {  	_ = 	snop  }
0x6: {  	_ = 	snop  }
0x7: {  	_ = 	snop  }
__scs_overlays_trampoline_lowered:
0x8: {  	[smem:$0x3FAE] =	sst s0  }
0x9: {  	[smem:$0x3FAF] =	sst s1  }
0xa: {  	[smem:$0x3FB0] =	sst s2  }
0xb: {  	[smem:$0x3FB1] =	sst s3  }
0xc: {  	[smem:$0x3FB2] =	sst s4  }
0xd: {  	[smem:$0x3FB3] =	sst s5  }
0xe: {  	[smem:$0x3FB4] =	sst s6  }
0xf: {  	[smem:$0x3FB5] =	sst s7  }
0x10: {  	[smem:$0x3FB6] =	sst s8  }
0x11: {  	[smem:$0x3FB7] =	sst s9;
	s0 =	simm.s32 @!p0 $0x0  }
0x12: {  	s1 =	sld [smem:$0x3F9D];
	s0 =	simm.s32 @p0 $0x1  }
0x13: {  	[smem:$0x3FB8] =	sst s0;
	s0 =	simm.s32 @!p1 $0x0  }
0x14: {  	s2 =	sld [smem:$0x3F9C];
	s0 =	simm.s32 @p1 $0x1  }
0x15: {  	[smem:$0x3FB9] =	sst s0;
	s0 =	simm.s32 @!p2 $0x0  }
0x16: {  	s3 =	sld [smem:$0x3FDB];
	s0 =	simm.s32 @p2 $0x1  }
0x17: {  	s4 =	simm.s32 $0x1BF5;
	[smem:$0x3FBB] =	sst s0  }
0x18: {  	s0 =	sld [smem:$0x3F9E];
	_ =	swait.ge [sflag:s4], $0x0  }
0x19: {  	s7 =	sld [smem:$0x3F9F]  }
0x1a: {  	s8 =	sadd.s32 $0xFFFFE003, lr  }
0x1b: {  	s9 =	sadd.s32 $0xFFFFFEF7, lr;
	s5 =	simm.s32 $0xFFFFFFFF;
	p2 =	slt.u32 s8, $0xFFFFF086  }
0x1c: {  	p1 =	slt.u32 s9, $0xF7A;
	s5 =	simm.s32 @!p2 $0x0  }
0x1d: {  	s5 =	simm.s32 @p1 $0x1;
	p0 =	seq.s32 s7, s2  }
0x1e: {  	s7 =	smul.u32 @!p0 $0xF7A, s2;
	p2 =	seq.s32 @!p0 s5, $0x0  }
0x1f: {  	s9 =	smul.u32 $0xF7A, s1;
	s8 =	simm.s32 @!p0 $0x1BF5;
	p2 =	por !p2, p0  }
0x20: {  	[sflag:s8] =	ssyncset.s32 @!p0 $0xFFFFF086;
	s6 =	sadd.s32 @!p0 s3, s7;
	s7 =	simm.s32 @!p0 $0x108  }
0x21: {  	s3 =	sadd.s32 s3, s9;
	s6 =	sadd.s32 @!p0 $0x88, s6;
	s7 =	simm.s32 @p2 $0x1082  }
0x22: {  	[simem:s7], [sflag:s8] =	dma.local @!p0 [hbm:s6], $0xF7A  }
0x23: {  	s9 =	sor.u32 $0xD0000000, s2;
	s6 =	simm.s32 $0x108;
	_ =	swait.ge @!p0 [sflag:s8], $0x0  }
0x24: {  	s3 =	sadd.s32 $0x88, s3;
	s6 =	simm.s32 @!p1 $0x1082;
	[sflag:s4] =	ssyncset.s32 $0xFFFFF086  }
0x25: {  	[simem:s6], [sflag:s4] =	dma.local [hbm:s3], $0xF7A  }
0x26: {  	[smem:$0x3F9F] =	sst s1;
	(tag) =	ssettag s2;
	_ =	strace s9  }
0x27: {  	s1 =	sld [smem:$0x3FAF]  }
0x28: {  	s2 =	sld [smem:$0x3FB0]  }
0x29: {  	s4 =	sld [smem:$0x3FB2]  }
0x2a: {  	p0 =	seq.s32 s5, $0x0;
	s5 =	sld [smem:$0x3FB3]  }
0x2b: {  	s6 =	sld [smem:$0x3FB4]  }
0x2c: {  	s7 =	sld [smem:$0x3FB5]  }
0x2d: {  	s3 =	simm.s32 $0x108;
	s8 =	sld [smem:$0x3FB6]  }
0x2e: {  	s3 =	simm.s32 @!p0 $0x1082;
	s9 =	sld [smem:$0x3FB7]  }
0x2f: {  	lr =	sadd.s32 s0, s3;
	s0 =	sld [smem:$0x3FAE]  }
0x30: {  	s3 =	sld [smem:$0x3FB1]  }
0x31: {  	[smem:$0x3FBA] =	sst s10  }
0x32: {  	s10 =	sld [smem:$0x3FB8];
	_ =	sdelay $0x3  }
0x33: {  	p0 =	seq.s32 s10, $0x1;
	s10 =	sld [smem:$0x3FBA];
	_ =	sdelay $0x3  }
0x34: {  	[smem:$0x3FBA] =	sst s10  }
0x35: {  	s10 =	sld [smem:$0x3FB9];
	_ =	sdelay $0x3  }
0x36: {  	p1 =	seq.s32 s10, $0x1;
	s10 =	sld [smem:$0x3FBA];
	_ =	sdelay $0x3  }
0x37: {  	[smem:$0x3FBA] =	sst s10  }
0x38: {  	s10 =	sld [smem:$0x3FBB]  }
0x39: {  	_ = 	snop;
	(pc) =	sbr.ind lr, $3  }
0x3a: {  	_ = 	snop  }
0x3b: {  	_ = 	snop  }
0x3c: {  	p2 =	seq.s32 s10, $0x1;
	s10 =	sld [smem:$0x3FBA]  }
0x3d: {  	_ =	shalt  }
0x3e: {  	_ =	shalt  }
0x3f: {  	_ =	shalt  }
0x40: {  	_ =	shalt  }
0x41: {  	_ =	shalt  }
0x42: {  	_ =	shalt  }
0x43: {  	_ =	shalt  }
0x44: {  	_ =	shalt  }
0x45: {  	_ =	shalt  }
0x46: {  	_ =	shalt  }
0x47: {  	_ =	shalt  }
0x48: {  	_ =	shalt  }
0x49: {  	_ =	shalt  }
0x4a: {  	_ =	shalt  }
0x4b: {  	_ =	shalt  }
0x4c: {  	_ =	shalt  }
0x4d: {  	_ =	shalt  }
0x4e: {  	_ =	shalt  }
0x4f: {  	_ =	shalt  }
0x50: {  	_ =	shalt  }
0x51: {  	_ =	shalt  }
0x52: {  	_ =	shalt  }
0x53: {  	_ =	shalt  }
0x54: {  	_ =	shalt  }
0x55: {  	_ =	shalt  }
0x56: {  	_ =	shalt  }
0x57: {  	_ =	shalt  }
0x58: {  	_ =	shalt  }
0x59: {  	_ =	shalt  }
0x5a: {  	_ =	shalt  }
0x5b: {  	_ =	shalt  }
0x5c: {  	_ =	shalt  }
0x5d: {  	_ =	shalt  }
0x5e: {  	_ =	shalt  }
0x5f: {  	_ =	shalt  }
0x60: {  	_ =	shalt  }
0x61: {  	_ =	shalt  }
0x62: {  	_ =	shalt  }
0x63: {  	_ =	shalt  }
0x64: {  	_ =	shalt  }
0x65: {  	_ =	shalt  }
0x66: {  	_ =	shalt  }
0x67: {  	_ =	shalt  }
0x68: {  	_ =	shalt  }
0x69: {  	_ =	shalt  }
0x6a: {  	_ =	shalt  }
0x6b: {  	_ =	shalt  }
0x6c: {  	_ =	shalt  }
0x6d: {  	_ =	shalt  }
0x6e: {  	_ =	shalt  }
0x6f: {  	_ =	shalt  }
0x70: {  	_ =	shalt  }
0x71: {  	_ =	shalt  }
0x72: {  	_ =	shalt  }
0x73: {  	_ =	shalt  }
0x74: {  	_ =	shalt  }
0x75: {  	_ =	shalt  }
0x76: {  	_ =	shalt  }
0x77: {  	_ =	shalt  }
0x78: {  	_ =	shalt  }
0x79: {  	_ =	shalt  }
0x7a: {  	_ =	shalt  }
0x7b: {  	_ =	shalt  }
0x7c: {  	_ =	shalt  }
0x7d: {  	_ =	shalt  }
0x7e: {  	_ =	shalt  }
0x7f: {  	_ =	shalt  }
0x80: {  	_ =	shalt  }
0x81: {  	_ =	shalt  }
0x82: {  	_ =	shalt  }
0x83: {  	_ =	shalt  }
0x84: {  	_ =	shalt  }
0x85: {  	_ =	shalt  }
0x86: {  	_ =	shalt  }
0x87: {  	_ =	shalt  }
.Lfunc_end0:
.L_simem_size_0:
called_computation.2_lowered:
.L_overlay_start_0:
0x88: {  	s2 =	sld [smem:$0x3FD9]  }
0x89: {  	s3 =	sld [smem:$0x3FFE];
	_ =	sdelay $0x1  }
0x8a: {  	s1 =	srdreg.scid  }
0x8b: {  	s0 =	sand.u32 $0x1, s1  }
0x8c: {  	s17 =	sshll.u32 s0, $0xA;
	s2 =	sadd.s32 s3, s2  }
0x8d: {  	s2 =	sadd.s32 s2, s17  }
0x8e: {  	[smem:$0x3FC6] =	sst s2  }
0x8f: {  	_ = 	snop  }
0x90: {  	(tm) =	ssettm $0x1  }
0x91: {  	s18 =	sld [smem:$0x3FFB];
	_ =	sdelay $0x3  }
0x92: {  	_ =	strace s18  }
0x93: {  	s2 =	sld [smem:$0x3FFC];
	_ =	sdelay $0x3  }
0x94: {  	_ =	strace s2  }
0x95: {  	s2 =	sld [smem:$0x3FFD];
	_ =	sdelay $0x3  }
0x96: {  	_ =	strace s2  }
0x97: {  	_ =	strace $0x8FFFFFFF  }
0x98: {  	s19 =	sld [smem:$0x3FDB];
	_ =	sdelay $0x1  }
0x99: {  	s20 =	simm.s32 $_scs_section_size  }
0x9a: {  	s4 =	simm.s32 $_size__tile_overlayer_lowered;
	s5 =	simm.s32 $_tile_overlayer_lowered  }
0x9b: {  	s6 =	simm.s32 $0x1BFF;
	s21 =	sshll.u32 s5, $0x1;
	s3 =	sadd.s32 s20, s19  }
0x9c: {  	s22 =	simm.s32 $0x0;
	s4 =	sshll.u32 s4, $0x1;
	s5 =	sadd.s32 s21, s3  }
0x9d: {  	[timem:s22], [sflag:s6] =	dma.local [hbm:s5], s4  }
0x9e: {  	_ =	swait.ge [sflag:s6], s4  }
0x9f: {  	s4 =	ssub.s32 $0x0, s4;
	[sflag:s6] =	ssyncset.done $0x0  }
0xa0: {  	[sflag:s6] =	ssyncadd.s32 s4;
	_ =	sdelay $0x1  }
0xa1: {  	s23 =	simm.s32 $0x1B8B  }
0xa2: {  	_ =	swait.ge [sflag:s23], $0x1  }
0xa3: {  	[sflag:s23] =	ssyncset.done $0x0  }
0xa4: {  	[sflag:s23] =	ssyncadd.s32 $0xFFFFFFFF  }
0xa5: {  	s4 =	sld [smem:$0x0]  }
0xa6: {  	s5 =	sand.u32 $0xFFFFFFFE, s1  }
0xa7: {  	p0 =	sne.s32 s1, s5  }
0xa8: {  	s5 =	sshll.u32 @p0 s5, $0xE  }
0xa9: {  	s5 =	sadd.s32 @p0 $0x11B8D, s5;
	s6 =	sshll.u32 @p0 s4, $0x11  }
0xaa: {  	s5 =	sor.u32 @p0 s6, s5  }
0xab: {  	[sflag:s5] =	ssyncadd.remote.s32 @p0 $0x1;
	_ =	sdelay $0x1  }
0xac: {  	s5 =	simm.s32 @p0 $0x1B8D  }
0xad: {  	_ =	swait.eq @p0 [sflag:s5], $0x1  }
0xae: {  	[sflag:s5] =	ssyncadd.s32 @p0 $0xFFFFFFFF  }
0xaf: {  	s6 =	sshll.u32 @!p0 s1, $0xE  }
0xb0: {  	s6 =	sor.u32 @!p0 $0x4000, s6;
	s5 =	simm.s32 @!p0 $0x1B8D  }
0xb1: {  	s4 =	sshll.u32 @!p0 s4, $0x11;
	s6 =	sadd.s32 @!p0 $0x11B8D, s6;
	_ =	swait.eq @!p0 [sflag:s5], $0x1  }
0xb2: {  	s4 =	sor.u32 @!p0 s4, s6;
	[sflag:s5] =	ssyncadd.s32 @!p0 $0xFFFFFFFF  }
0xb3: {  	s25 =	simm.s32 $0x1B8E;
	s24 =	sld [smem:$0x3FFE];
	[sflag:s4] =	ssyncadd.remote.s32 @!p0 $0x1  }
0xb4: {  	s26 =	simm.s32 $execute0_lowered;
	[smem:$0x3FD2] =	sst s25  }
0xb5: {  	s5 =	sshll.u32 s26, $0x1;
	_ =	strace $0x80000049;
	[dreg:$0x1] =	wrdreg $0xFFFFFFFF  }
0xb6: {  	s28 =	simm.s32 $_size_execute0_lowered;
	s3 =	sadd.s32 s3, s5;
	[dreg:$0x0] =	wrdreg $0x0  }
0xb7: {  	s5 =	sshll.u32 s28, $0x1;
	[dreg:$0x2] =	wrdreg s3  }
0xb8: {  	[dreg:$0x3] =	wrdreg s5  }
0xb9: {  	[dreg:$0x4] =	wrdreg $0xC0  }
0xba: {  	_ =	task [dreg:s22], $0x5FFFF  }
0xbb: {  	[dreg:$0x1] =	wrdreg $0xFFFFFFFF  }
0xbc: {  	[dreg:$0x0] =	wrdreg $0x60  }
0xbd: {  	[dreg:$0x2] =	wrdreg s24  }
0xbe: {  	[dreg:$0x3] =	wrdreg $0xA  }
0xbf: {  	_ =	task.clear_ibuf [dreg:s22], $0x4FFFF;
	_ =	strace $0x90000049  }
0xc0: {  	s29 =	simm.s32 $0xA;
	_ =	strace $0x8000004B  }
0xc1: {  	_ =	swait.ge [sflag:s29], $0x1  }
0xc2: {  	[sflag:s29] =	ssyncadd.s32 $0xFFFFFFFF  }
0xc3: {  	_ =	strace $0x9000004B  }
0xc4: {  	_ =	sfence  }
0xc5: {  	s30 =	sld [smem:$0x0];
	_ =	sdelay $0x2  }
0xc6: {  	s31 =	sshll.u32 s1, $0xD;
	s1 =	sshrl.u32 s1, $0x2  }
0xc7: {  	s4 =	sand.u32 $0x4000, s31;
	s1 =	sadd.s32 s1, s30  }
0xc8: {  	s0 =	sor.u32 s4, s0;
	s1 =	sshll.u32 s1, $0x11  }
0xc9: {  	s0 =	sor.u32 s1, s0  }
0xca: {  	s0 =	sadd.s32 $0x8F2B, s0  }
0xcb: {  	[sflag:s0] =	ssyncadd.remote.s32 $0x1  }
0xcc: {  	_ =	sfence.sel $0xFFFF  }
0xcd: {  	[dreg:$0x0] =	wrdreg $0xFFFFFFFF;
	(pc) =	sbr.abs _section_cstart, $3  }
0xce: {  	[dreg:$0x1] =	wrdreg $0xFFFFFFFF  }
0xcf: {  	_ =	task.clear_ibuf [dreg:s22], $0x2FFFF;
	_ =	strace $0x9FFFFFFF  }
0xd0: {  	(tm) =	ssettm $0x7FFFFFFF  }
0xd1: {  	_ =	shalt  }
tec
execute0_lowered:
.L_overlay_start_1:
0x0: {  	(tag) =	ssettag $0x1  }
0x1: {  	s1 =	srdreg.scid;
	s0 =	stileid.u32  }
0x2: {  	s4 =	rddreg [dreg:$0x0];
	s2 =	simm.s32 $0x0;
	s9 =	simm.s32 $0x100  }
0x3: {  	s10 =	simm.s32 $0x3200;
	s11 =	simm.s32 $0x7200;
	s12 =	simm.s32 $0x1  }
0x4: {  	s13 =	simm.s32 $0x2;
	s14 =	simm.s32 $0x3;
	s15 =	simm.s32 $0x4  }
0x5: {  	s3 =	sand.u32 $0x1, s1;
	s31 =	sshll.u32 s0, $0x1;
	s1 =	rddreg [dreg:$0x1]  }
0x6: {  	s16 =	simm.s32 $0x0;
	[smem:$0x7FF] =	sst s2;
	s6 =	sor.u32 s3, s31  }
0x7: {  	s7 =	ssub.s32 $0x2, s3;
	_ =	strace $0x8000004A;
	s5 =	smul.u32 $0x640, s6  }
0x8: {  	s3 =	sadd.s32 $0xF43A00, s4;
	s8 =	sshrl.u32 s7, $0x1;
	s6 =	smul.u32 $0xC8000, s6  }
0x9: {  	s7 =	ssub.s32 s7, s8;
	s8 =	simm.s32 $0x5;
	s5 =	sadd.s32 s5, s4  }
0xa: {  	s4 =	sadd.s32 $0x32DE00, s4;
	s7 =	smax.u32 s7, $0x1;
	s5 =	sadd.s32 $0x321600, s5  }
.LBB2_1:
0xb: {  	[tilespmem:s2], [sflag:$0x5] =	stream.linear.gather [hbm4b:s5+s2], $0x3200, $0x38;
	[tilespmem:$0xB200] =	vst v63  }
0xc: {  	_ =	swait.ge [sflag:s8], $0x3200  }
0xd: {  	[sflag:s8] =	ssyncset.done $0x0  }
0xe: {  	s17 =	simm.s32 $0x0;
	[sflag:s8] =	ssyncadd.s32 $0xFFFFCE00  }
0xf: {  	[tilespmem:s10], [sflag:$0x1] =	stream.indirect.gather [hbm4b:s3+s9], $0x40, s2, s9, $0xb8;
	[tilespmem:$0xB200] =	vst v63  }
.LBB2_2:
0x10: {  	p0 =	seq.s32 s17, $0x0  }
0x11: {  	s19 =	simm.s32 @!p0 $0x4  }
0x12: {  	s18 =	sshllo.u32 s17, $0x1;
	_ =	swait.ge @!p0 [sflag:s19], $0x4000  }
0x13: {  	s20 =	sshll.u32 s18, $0x8;
	[sflag:s19] =	ssyncset.done @!p0 $0x0  }
0x14: {  	s31 =	sand.u32 $0x3FFFFF00, s20;
	[sflag:s19] =	ssyncadd.s32 @!p0 $0xFFFFC000  }
0x15: {  	[tilespmem:s11], [sflag:$0x2] =	stream.indirect.gather [hbm4b:s3+s9], $0x40, s31, s9, $0xb8;
	[tilespmem:$0xB200] =	vst v63  }
0x16: {  	_ =	swait.ge [sflag:s12], $0x4000  }
0x17: {  	[sflag:s12] =	ssyncset.done $0x0  }
0x18: {  	s19 =	simm.s32 $0x3280;
	[sflag:s12] =	ssyncadd.s32 $0xFFFFC000  }
0x19: {  	v0 =	vld [tilespmem:s19+$0xFFFFFF80]  }
0x1a: {  	v1 =	vld [tilespmem:s19+$0xFFFFFF90]  }
0x1b: {  	v2 =	vld [tilespmem:s19+$0xFFFFFFA0]  }
0x1c: {  	v3 =	vld [tilespmem:s19+$0xFFFFFFB0]  }
0x1d: {  	v4 =	vld [tilespmem:s19+$0xFFFFFFC0]  }
0x1e: {  	v5 =	vld [tilespmem:s19+$0xFFFFFFD0];
	v0 =	vmul.f32 $8.000000000e+00, v0  }
0x1f: {  	v6 =	vld [tilespmem:s19+$0xFFFFFFE0];
	v1 =	vmul.f32 $8.000000000e+00, v1  }
0x20: {  	[tilespmem:s19+$0xFFFFFF80] =	vst v0;
	v0 =	vmul.f32 $8.000000000e+00, v2;
	v2 =	vld [tilespmem:s19+$0x0]  }
0x21: {  	[tilespmem:s19+$0xFFFFFF90] =	vst v1;
	v1 =	vmul.f32 $8.000000000e+00, v3;
	v3 =	vld [tilespmem:s19+$0x10]  }
0x22: {  	[tilespmem:s19+$0xFFFFFFA0] =	vst v0;
	v0 =	vmul.f32 $8.000000000e+00, v4;
	v4 =	vld [tilespmem:s19+$0x20]  }
0x23: {  	v7 =	vld [tilespmem:s19+$0x30];
	[tilespmem:s19+$0xFFFFFFB0] =	vst v1;
	v1 =	vmul.f32 $8.000000000e+00, v5  }
0x24: {  	v5 =	vmul.f32 $8.000000000e+00, v6;
	[tilespmem:s19+$0xFFFFFFC0] =	vst v0;
	v0 =	vld [tilespmem:s19+$0x40]  }
0x25: {  	[tilespmem:s19+$0xFFFFFFD0] =	vst v1;
	v1 =	vmul.f32 $8.000000000e+00, v2;
	v2 =	vld [tilespmem:s19+$0x50]  }
0x26: {  	[tilespmem:s19+$0xFFFFFFE0] =	vst v5;
	v6 =	vmul.f32 $8.000000000e+00, v3;
	v3 =	vld [tilespmem:s19+$0x60]  }
0x27: {  	[tilespmem:s19+$0x0] =	vst v1;
	v5 =	vmul.f32 $8.000000000e+00, v4;
	v4 =	vld [tilespmem:s19+$0x70]  }
0x28: {  	s21 =	simm.s32 $0x3380;
	s20 =	simm.s32 $0x0;
	v1 =	vld [tilespmem:s19+$0xFFFFFFF0];
	[tilespmem:s19+$0x10] =	vst v6;
	v6 =	vmul.f32 $8.000000000e+00, v7  }
.LBB2_3:
0x29: {  	v7 =	vld [tilespmem:s21+$0xFFFFFF80];
	[tilespmem:s19+$0x20] =	vst v5;
	v0 =	vmul.f32 $8.000000000e+00, v0  }
0x2a: {  	v5 =	vld [tilespmem:s21+$0xFFFFFF90];
	[tilespmem:s19+$0x30] =	vst v6;
	v2 =	vmul.f32 $8.000000000e+00, v2  }
0x2b: {  	v6 =	vld [tilespmem:s21+$0xFFFFFFA0];
	[tilespmem:s19+$0x40] =	vst v0;
	v0 =	vmul.f32 $8.000000000e+00, v3  }
0x2c: {  	v3 =	vld [tilespmem:s21+$0xFFFFFFB0];
	[tilespmem:s19+$0x50] =	vst v2;
	v2 =	vmul.f32 $8.000000000e+00, v4  }
0x2d: {  	v4 =	vld [tilespmem:s21+$0xFFFFFFC0];
	v1 =	vmul.f32 $8.000000000e+00, v1;
	[tilespmem:s19+$0x60] =	vst v0  }
0x2e: {  	v0 =	vmul.f32 $8.000000000e+00, v7;
	v7 =	vld [tilespmem:s21+$0xFFFFFFD0];
	[tilespmem:s19+$0x70] =	vst v2  }
0x2f: {  	v2 =	vmul.f32 $8.000000000e+00, v5;
	v5 =	vld [tilespmem:s21+$0xFFFFFFE0];
	[tilespmem:s19+$0xFFFFFFF0] =	vst v1;
	s19 =	smov.u32 s21  }
0x30: {  	[tilespmem:s21+$0xFFFFFF80] =	vst v0;
	v0 =	vmul.f32 $8.000000000e+00, v6;
	v1 =	vld [tilespmem:s21+$0x0]  }
0x31: {  	[tilespmem:s21+$0xFFFFFF90] =	vst v2;
	v2 =	vmul.f32 $8.000000000e+00, v3;
	v3 =	vld [tilespmem:s21+$0x10]  }
0x32: {  	s20 =	sadd.s32 $0x4, s20;
	[tilespmem:s21+$0xFFFFFFA0] =	vst v0;
	v0 =	vmul.f32 $8.000000000e+00, v4;
	v4 =	vld [tilespmem:s21+$0x20]  }
0x33: {  	p0 =	slt.u32 s20, $0xFC;
	[tilespmem:s21+$0xFFFFFFB0] =	vst v2;
	v2 =	vmul.f32 $8.000000000e+00, v7;
	v6 =	vld [tilespmem:s21+$0x30]  }
.Ltmp0:
0x34: {  	[tilespmem:s21+$0xFFFFFFC0] =	vst v0;
	v5 =	vmul.f32 $8.000000000e+00, v5;
	v0 =	vld [tilespmem:s21+$0x40];
	(pc) =	sbr.rel @p0 .LBB2_3-.Ltmp0, $4  }
0x35: {  	[tilespmem:s21+$0xFFFFFFD0] =	vst v2;
	v1 =	vmul.f32 $8.000000000e+00, v1;
	v2 =	vld [tilespmem:s21+$0x50]  }
0x36: {  	[tilespmem:s21+$0xFFFFFFE0] =	vst v5;
	v7 =	vmul.f32 $8.000000000e+00, v3;
	v3 =	vld [tilespmem:s21+$0x60]  }
0x37: {  	[tilespmem:s21+$0x0] =	vst v1;
	v5 =	vmul.f32 $8.000000000e+00, v4;
	v4 =	vld [tilespmem:s21+$0x70]  }
0x38: {  	s21 =	sadd.s32 $0x100, s21;
	v1 =	vld [tilespmem:s19+$0xFFFFFFF0];
	[tilespmem:s19+$0x10] =	vst v7;
	v6 =	vmul.f32 $8.000000000e+00, v6  }
0x39: {  	[tilespmem:s19+$0x20] =	vst v5;
	v0 =	vmul.f32 $8.000000000e+00, v0  }
0x3a: {  	[tilespmem:s19+$0x30] =	vst v6;
	v2 =	vmul.f32 $8.000000000e+00, v2  }
0x3b: {  	[tilespmem:s19+$0x40] =	vst v0;
	v0 =	vmul.f32 $8.000000000e+00, v3  }
0x3c: {  	s20 =	sshll.u32 s17, $0xF;
	[tilespmem:s19+$0x50] =	vst v2;
	v2 =	vmul.f32 $8.000000000e+00, v4  }
0x3d: {  	s20 =	sadd.s32 s6, s20;
	v1 =	vmul.f32 $8.000000000e+00, v1;
	[tilespmem:s19+$0x60] =	vst v0  }
0x3e: {  	p0 =	seq.s32 s17, $0x18;
	s20 =	sshrl.u32 s20, $0x3;
	[tilespmem:s19+$0x70] =	vst v2  }
0x3f: {  	s31 =	sadd.s32 s4, s20;
	[tilespmem:s19+$0xFFFFFFF0] =	vst v1;
	s19 =	simm.s32 @!p0 $0x3  }
0x40: {  	[hbm4b:s31+s2] =	stream.linear.scatter [tilespmem:s10], [sflag:$0x3], $0x4000, $0x38;
	[tilespmem:$0xB200] =	vst v63  }
0x41: {  	_ =	swait.ge @!p0 [sflag:s19], $0x4000  }
0x42: {  	s20 =	sshll.u32 @!p0 s17, $0x9;
	[sflag:s19] =	ssyncset.done @!p0 $0x0  }
0x43: {  	[sflag:s19] =	ssyncadd.s32 @!p0 $0xFFFFC000;
	s19 =	sand.u32 @!p0 $0x3FFFFE00, s20  }
0x44: {  	s21 =	simm.s32 @!p0 $0x3200;
	s20 =	simm.s32 @!p0 $0x100;
	s19 =	sadd.s32 @!p0 $0x200, s19  }
0x45: {  	[tilespmem:s21], [sflag:$0x1] =	stream.indirect.gather @!p0 [hbm4b:s3+s20], $0x40, s19, s20, $0xb8;
	[tilespmem:$0xB200] =	vst v63  }
0x46: {  	_ =	swait.ge [sflag:s13], $0x4000  }
0x47: {  	[sflag:s13] =	ssyncset.done $0x0  }
0x48: {  	s19 =	simm.s32 $0x7280;
	[sflag:s13] =	ssyncadd.s32 $0xFFFFC000  }
0x49: {  	v0 =	vld [tilespmem:s19+$0xFFFFFF80]  }
0x4a: {  	v1 =	vld [tilespmem:s19+$0xFFFFFF90]  }
0x4b: {  	v2 =	vld [tilespmem:s19+$0xFFFFFFA0]  }
0x4c: {  	v3 =	vld [tilespmem:s19+$0xFFFFFFB0]  }
0x4d: {  	v4 =	vld [tilespmem:s19+$0xFFFFFFC0]  }
0x4e: {  	v5 =	vld [tilespmem:s19+$0xFFFFFFD0];
	v0 =	vmul.f32 $8.000000000e+00, v0  }
0x4f: {  	v6 =	vld [tilespmem:s19+$0xFFFFFFE0];
	v1 =	vmul.f32 $8.000000000e+00, v1  }
0x50: {  	[tilespmem:s19+$0xFFFFFF80] =	vst v0;
	v0 =	vmul.f32 $8.000000000e+00, v2;
	v2 =	vld [tilespmem:s19+$0x0]  }
0x51: {  	[tilespmem:s19+$0xFFFFFF90] =	vst v1;
	v1 =	vmul.f32 $8.000000000e+00, v3;
	v3 =	vld [tilespmem:s19+$0x10]  }
0x52: {  	[tilespmem:s19+$0xFFFFFFA0] =	vst v0;
	v0 =	vmul.f32 $8.000000000e+00, v4;
	v4 =	vld [tilespmem:s19+$0x20]  }
0x53: {  	v7 =	vld [tilespmem:s19+$0x30];
	[tilespmem:s19+$0xFFFFFFB0] =	vst v1;
	v1 =	vmul.f32 $8.000000000e+00, v5  }
0x54: {  	v5 =	vmul.f32 $8.000000000e+00, v6;
	[tilespmem:s19+$0xFFFFFFC0] =	vst v0;
	v0 =	vld [tilespmem:s19+$0x40]  }
0x55: {  	[tilespmem:s19+$0xFFFFFFD0] =	vst v1;
	v1 =	vmul.f32 $8.000000000e+00, v2;
	v2 =	vld [tilespmem:s19+$0x50]  }
0x56: {  	[tilespmem:s19+$0xFFFFFFE0] =	vst v5;
	v6 =	vmul.f32 $8.000000000e+00, v3;
	v3 =	vld [tilespmem:s19+$0x60]  }
0x57: {  	[tilespmem:s19+$0x0] =	vst v1;
	v5 =	vmul.f32 $8.000000000e+00, v4;
	v4 =	vld [tilespmem:s19+$0x70]  }
0x58: {  	s20 =	simm.s32 $0x0;
	s21 =	simm.s32 $0x7380;
	v1 =	vld [tilespmem:s19+$0xFFFFFFF0];
	[tilespmem:s19+$0x10] =	vst v6;
	v6 =	vmul.f32 $8.000000000e+00, v7  }
.LBB2_5:
0x59: {  	v7 =	vld [tilespmem:s21+$0xFFFFFF80];
	[tilespmem:s19+$0x20] =	vst v5;
	v0 =	vmul.f32 $8.000000000e+00, v0  }
0x5a: {  	v5 =	vld [tilespmem:s21+$0xFFFFFF90];
	[tilespmem:s19+$0x30] =	vst v6;
	v2 =	vmul.f32 $8.000000000e+00, v2  }
0x5b: {  	v6 =	vld [tilespmem:s21+$0xFFFFFFA0];
	[tilespmem:s19+$0x40] =	vst v0;
	v0 =	vmul.f32 $8.000000000e+00, v3  }
0x5c: {  	v3 =	vld [tilespmem:s21+$0xFFFFFFB0];
	[tilespmem:s19+$0x50] =	vst v2;
	v2 =	vmul.f32 $8.000000000e+00, v4  }
0x5d: {  	v4 =	vld [tilespmem:s21+$0xFFFFFFC0];
	v1 =	vmul.f32 $8.000000000e+00, v1;
	[tilespmem:s19+$0x60] =	vst v0  }
0x5e: {  	v0 =	vmul.f32 $8.000000000e+00, v7;
	v7 =	vld [tilespmem:s21+$0xFFFFFFD0];
	[tilespmem:s19+$0x70] =	vst v2  }
0x5f: {  	v2 =	vmul.f32 $8.000000000e+00, v5;
	v5 =	vld [tilespmem:s21+$0xFFFFFFE0];
	[tilespmem:s19+$0xFFFFFFF0] =	vst v1;
	s19 =	smov.u32 s21  }
0x60: {  	[tilespmem:s21+$0xFFFFFF80] =	vst v0;
	v0 =	vmul.f32 $8.000000000e+00, v6;
	v1 =	vld [tilespmem:s21+$0x0]  }
0x61: {  	[tilespmem:s21+$0xFFFFFF90] =	vst v2;
	v2 =	vmul.f32 $8.000000000e+00, v3;
	v3 =	vld [tilespmem:s21+$0x10]  }
0x62: {  	s20 =	sadd.s32 $0x4, s20;
	[tilespmem:s21+$0xFFFFFFA0] =	vst v0;
	v0 =	vmul.f32 $8.000000000e+00, v4;
	v4 =	vld [tilespmem:s21+$0x20]  }
0x63: {  	p0 =	slt.u32 s20, $0xFC;
	[tilespmem:s21+$0xFFFFFFB0] =	vst v2;
	v2 =	vmul.f32 $8.000000000e+00, v7;
	v6 =	vld [tilespmem:s21+$0x30]  }
.Ltmp1:
0x64: {  	[tilespmem:s21+$0xFFFFFFC0] =	vst v0;
	v5 =	vmul.f32 $8.000000000e+00, v5;
	v0 =	vld [tilespmem:s21+$0x40];
	(pc) =	sbr.rel @p0 .LBB2_5-.Ltmp1, $4  }
0x65: {  	[tilespmem:s21+$0xFFFFFFD0] =	vst v2;
	v1 =	vmul.f32 $8.000000000e+00, v1;
	v2 =	vld [tilespmem:s21+$0x50]  }
0x66: {  	[tilespmem:s21+$0xFFFFFFE0] =	vst v5;
	v7 =	vmul.f32 $8.000000000e+00, v3;
	v3 =	vld [tilespmem:s21+$0x60]  }
0x67: {  	[tilespmem:s21+$0x0] =	vst v1;
	v5 =	vmul.f32 $8.000000000e+00, v4;
	v4 =	vld [tilespmem:s21+$0x70]  }
0x68: {  	s21 =	sadd.s32 $0x100, s21;
	v1 =	vld [tilespmem:s19+$0xFFFFFFF0];
	[tilespmem:s19+$0x10] =	vst v7;
	v6 =	vmul.f32 $8.000000000e+00, v6  }
0x69: {  	[tilespmem:s19+$0x20] =	vst v5;
	v0 =	vmul.f32 $8.000000000e+00, v0  }
0x6a: {  	s17 =	sadd.s32 $0x1, s17;
	[tilespmem:s19+$0x30] =	vst v6;
	v2 =	vmul.f32 $8.000000000e+00, v2  }
0x6b: {  	p0 =	sne.s32 s17, $0x19;
	[tilespmem:s19+$0x40] =	vst v0;
	v62 =	vmul.f32 $8.000000000e+00, v3  }
.Ltmp2:
0x6c: {  	s18 =	sshll.u32 s18, $0xE;
	[tilespmem:s19+$0x50] =	vst v2;
	v63 =	vmul.f32 $8.000000000e+00, v4;
	(pc) =	sbr.rel @p0 .LBB2_2-.Ltmp2, $4  }
0x6d: {  	s18 =	sadd.s32 s6, s18;
	v1 =	vmul.f32 $8.000000000e+00, v1;
	[tilespmem:s19+$0x60] =	vst v62  }
0x6e: {  	s18 =	sshrl.u32 s18, $0x3;
	[tilespmem:s19+$0x70] =	vst v63  }
0x6f: {  	s18 =	sadd.s32 s4, s18;
	[tilespmem:s19+$0xFFFFFFF0] =	vst v1  }
0x70: {  	[hbm4b:s18+s2] =	stream.linear.scatter [tilespmem:s11], [sflag:$0x4], $0x4000, $0x38;
	[tilespmem:$0xB200] =	vst v63  }
0x71: {  	s16 =	sadd.s32 $0x1, s16  }
0x72: {  	_ =	swait.ge [sflag:s14], $0x4000;
	p0 =	sne.s32 s16, s7  }
.Ltmp3:
0x73: {  	[sflag:s14] =	ssyncset.done $0x0;
	(pc) =	sbr.rel @p0 .LBB2_1-.Ltmp3, $4  }
0x74: {  	[sflag:s14] =	ssyncadd.s32 $0xFFFFC000  }
0x75: {  	_ =	swait.ge [sflag:s15], $0x4000  }
0x76: {  	[sflag:s15] =	ssyncset.done $0x0  }
0x77: {  	[sflag:s15] =	ssyncadd.s32 $0xFFFFC000  }
0x78: {  	_ =	sfence.sel $0x180000  }
0x79: {  	[bflag:$0x0] =	sbarrier.arrive $0xFFFF  }
0x7a: {  	p0 =	sne.s32 s0, $0x0;
	_ =	strace $0x9000004A  }
0x7b: {  	s0 =	sadd.s32 @!p0 $0x100000, s1;
	[bflag:$0x2] =	sbarrier.arrive $0xFFFF  }
0x7c: {  	[sflag:s0] =	ssyncadd.tile.s32 @!p0 $0x1;
	_ =	shalt  }
.Lfunc_end2:
_tile_overlayer_lowered:
.L_overlay_start_2:
0x7d: {  	(tag) =	ssettag $0x2  }
0x7e: {  	s0 =	rddreg [dreg:$0x0];
	s2 =	stileid.u32  }
0x7f: {  	s1 =	rddreg [dreg:$0x1];
	p0 =	sne.s32 s2, $0x0  }
0x80: {  	s3 =	rddreg [dreg:$0x2];
	[bflag:$0x3] =	sbarrier.arrive $0xFFFF;
	s2 =	simm.s32 @!p0 $0x1C05  }
0x81: {  	[timem:s3], [sflag:s2] =	dma.local @!p0 [hbm:s0], s1  }
0x82: {  	s0 =	simm.s32 @!p0 $0x5  }
0x83: {  	_ =	swait.ge @!p0 [sflag:s0], s1  }
0x84: {  	s1 =	ssub.s32 @!p0 $0x0, s1;
	[sflag:s0] =	ssyncset.done @!p0 $0x0  }
0x85: {  	[sflag:s0] =	ssyncadd.s32 @!p0 s1  }
0x86: {  	[bflag:$0x3] =	sbarrier.arrive $0xFFFF  }
0x87: {  	_ =	shalt  }

// kernel: kernel.7.cloned.1.call-start
scs
__scs_entry_jumppad:
0x0: {  	(pc) =	sbr.rel $0x88, $3  }
0x1: {  	(tag) =	ssettag $0x0;
	lr =	simm.s32 $0x1  }
0x2: {  	[smem:$0x3F9F] =	sst lr;
	_ =	strace $0xD0000000  }
0x3: {  	_ = 	snop  }
0x4: {  	_ = 	snop  }
0x5: {  	_ = 	snop  }
0x6: {  	_ = 	snop  }
0x7: {  	_ = 	snop  }
__scs_overlays_trampoline_lowered:
0x8: {  	[smem:$0x3FAE] =	sst s0  }
0x9: {  	[smem:$0x3FAF] =	sst s1  }
0xa: {  	[smem:$0x3FB0] =	sst s2  }
0xb: {  	[smem:$0x3FB1] =	sst s3  }
0xc: {  	[smem:$0x3FB2] =	sst s4  }
0xd: {  	[smem:$0x3FB3] =	sst s5  }
0xe: {  	[smem:$0x3FB4] =	sst s6  }
0xf: {  	[smem:$0x3FB5] =	sst s7  }
0x10: {  	[smem:$0x3FB6] =	sst s8  }
0x11: {  	[smem:$0x3FB7] =	sst s9;
	s0 =	simm.s32 @!p0 $0x0  }
0x12: {  	s1 =	sld [smem:$0x3F9D];
	s0 =	simm.s32 @p0 $0x1  }
0x13: {  	[smem:$0x3FB8] =	sst s0;
	s0 =	simm.s32 @!p1 $0x0  }
0x14: {  	s2 =	sld [smem:$0x3F9C];
	s0 =	simm.s32 @p1 $0x1  }
0x15: {  	[smem:$0x3FB9] =	sst s0;
	s0 =	simm.s32 @!p2 $0x0  }
0x16: {  	s3 =	sld [smem:$0x3FDB];
	s0 =	simm.s32 @p2 $0x1  }
0x17: {  	s4 =	simm.s32 $0x1BF5;
	[smem:$0x3FBB] =	sst s0  }
0x18: {  	s0 =	sld [smem:$0x3F9E];
	_ =	swait.ge [sflag:s4], $0x0  }
0x19: {  	s7 =	sld [smem:$0x3F9F]  }
0x1a: {  	s8 =	sadd.s32 $0xFFFFE003, lr  }
0x1b: {  	s9 =	sadd.s32 $0xFFFFFEF7, lr;
	s5 =	simm.s32 $0xFFFFFFFF;
	p2 =	slt.u32 s8, $0xFFFFF086  }
0x1c: {  	p1 =	slt.u32 s9, $0xF7A;
	s5 =	simm.s32 @!p2 $0x0  }
0x1d: {  	s5 =	simm.s32 @p1 $0x1;
	p0 =	seq.s32 s7, s2  }
0x1e: {  	s7 =	smul.u32 @!p0 $0xF7A, s2;
	p2 =	seq.s32 @!p0 s5, $0x0  }
0x1f: {  	s9 =	smul.u32 $0xF7A, s1;
	s8 =	simm.s32 @!p0 $0x1BF5;
	p2 =	por !p2, p0  }
0x20: {  	[sflag:s8] =	ssyncset.s32 @!p0 $0xFFFFF086;
	s6 =	sadd.s32 @!p0 s3, s7;
	s7 =	simm.s32 @!p0 $0x108  }
0x21: {  	s3 =	sadd.s32 s3, s9;
	s6 =	sadd.s32 @!p0 $0x88, s6;
	s7 =	simm.s32 @p2 $0x1082  }
0x22: {  	[simem:s7], [sflag:s8] =	dma.local @!p0 [hbm:s6], $0xF7A  }
0x23: {  	s9 =	sor.u32 $0xD0000000, s2;
	s6 =	simm.s32 $0x108;
	_ =	swait.ge @!p0 [sflag:s8], $0x0  }
0x24: {  	s3 =	sadd.s32 $0x88, s3;
	s6 =	simm.s32 @!p1 $0x1082;
	[sflag:s4] =	ssyncset.s32 $0xFFFFF086  }
0x25: {  	[simem:s6], [sflag:s4] =	dma.local [hbm:s3], $0xF7A  }
0x26: {  	[smem:$0x3F9F] =	sst s1;
	(tag) =	ssettag s2;
	_ =	strace s9  }
0x27: {  	s1 =	sld [smem:$0x3FAF]  }
0x28: {  	s2 =	sld [smem:$0x3FB0]  }
0x29: {  	s4 =	sld [smem:$0x3FB2]  }
0x2a: {  	p0 =	seq.s32 s5, $0x0;
	s5 =	sld [smem:$0x3FB3]  }
0x2b: {  	s6 =	sld [smem:$0x3FB4]  }
0x2c: {  	s7 =	sld [smem:$0x3FB5]  }
0x2d: {  	s3 =	simm.s32 $0x108;
	s8 =	sld [smem:$0x3FB6]  }
0x2e: {  	s3 =	simm.s32 @!p0 $0x1082;
	s9 =	sld [smem:$0x3FB7]  }
0x2f: {  	lr =	sadd.s32 s0, s3;
	s0 =	sld [smem:$0x3FAE]  }
0x30: {  	s3 =	sld [smem:$0x3FB1]  }
0x31: {  	[smem:$0x3FBA] =	sst s10  }
0x32: {  	s10 =	sld [smem:$0x3FB8];
	_ =	sdelay $0x3  }
0x33: {  	p0 =	seq.s32 s10, $0x1;
	s10 =	sld [smem:$0x3FBA];
	_ =	sdelay $0x3  }
0x34: {  	[smem:$0x3FBA] =	sst s10  }
0x35: {  	s10 =	sld [smem:$0x3FB9];
	_ =	sdelay $0x3  }
0x36: {  	p1 =	seq.s32 s10, $0x1;
	s10 =	sld [smem:$0x3FBA];
	_ =	sdelay $0x3  }
0x37: {  	[smem:$0x3FBA] =	sst s10  }
0x38: {  	s10 =	sld [smem:$0x3FBB]  }
0x39: {  	_ = 	snop;
	(pc) =	sbr.ind lr, $3  }
0x3a: {  	_ = 	snop  }
0x3b: {  	_ = 	snop  }
0x3c: {  	p2 =	seq.s32 s10, $0x1;
	s10 =	sld [smem:$0x3FBA]  }
0x3d: {  	_ =	shalt  }
0x3e: {  	_ =	shalt  }
0x3f: {  	_ =	shalt  }
0x40: {  	_ =	shalt  }
0x41: {  	_ =	shalt  }
0x42: {  	_ =	shalt  }
0x43: {  	_ =	shalt  }
0x44: {  	_ =	shalt  }
0x45: {  	_ =	shalt  }
0x46: {  	_ =	shalt  }
0x47: {  	_ =	shalt  }
0x48: {  	_ =	shalt  }
0x49: {  	_ =	shalt  }
0x4a: {  	_ =	shalt  }
0x4b: {  	_ =	shalt  }
0x4c: {  	_ =	shalt  }
0x4d: {  	_ =	shalt  }
0x4e: {  	_ =	shalt  }
0x4f: {  	_ =	shalt  }
0x50: {  	_ =	shalt  }
0x51: {  	_ =	shalt  }
0x52: {  	_ =	shalt  }
0x53: {  	_ =	shalt  }
0x54: {  	_ =	shalt  }
0x55: {  	_ =	shalt  }
0x56: {  	_ =	shalt  }
0x57: {  	_ =	shalt  }
0x58: {  	_ =	shalt  }
0x59: {  	_ =	shalt  }
0x5a: {  	_ =	shalt  }
0x5b: {  	_ =	shalt  }
0x5c: {  	_ =	shalt  }
0x5d: {  	_ =	shalt  }
0x5e: {  	_ =	shalt  }
0x5f: {  	_ =	shalt  }
0x60: {  	_ =	shalt  }
0x61: {  	_ =	shalt  }
0x62: {  	_ =	shalt  }
0x63: {  	_ =	shalt  }
0x64: {  	_ =	shalt  }
0x65: {  	_ =	shalt  }
0x66: {  	_ =	shalt  }
0x67: {  	_ =	shalt  }
0x68: {  	_ =	shalt  }
0x69: {  	_ =	shalt  }
0x6a: {  	_ =	shalt  }
0x6b: {  	_ =	shalt  }
0x6c: {  	_ =	shalt  }
0x6d: {  	_ =	shalt  }
0x6e: {  	_ =	shalt  }
0x6f: {  	_ =	shalt  }
0x70: {  	_ =	shalt  }
0x71: {  	_ =	shalt  }
0x72: {  	_ =	shalt  }
0x73: {  	_ =	shalt  }
0x74: {  	_ =	shalt  }
0x75: {  	_ =	shalt  }
0x76: {  	_ =	shalt  }
0x77: {  	_ =	shalt  }
0x78: {  	_ =	shalt  }
0x79: {  	_ =	shalt  }
0x7a: {  	_ =	shalt  }
0x7b: {  	_ =	shalt  }
0x7c: {  	_ =	shalt  }
0x7d: {  	_ =	shalt  }
0x7e: {  	_ =	shalt  }
0x7f: {  	_ =	shalt  }
0x80: {  	_ =	shalt  }
0x81: {  	_ =	shalt  }
0x82: {  	_ =	shalt  }
0x83: {  	_ =	shalt  }
0x84: {  	_ =	shalt  }
0x85: {  	_ =	shalt  }
0x86: {  	_ =	shalt  }
0x87: {  	_ =	shalt  }
.Lfunc_end0:
.L_simem_size_0:
called_computation.3_lowered:
.L_overlay_start_0:
0x88: {  	s2 =	sld [smem:$0x3FD9]  }
0x89: {  	s3 =	sld [smem:$0x3FFE];
	_ =	sdelay $0x1  }
0x8a: {  	s1 =	srdreg.scid  }
0x8b: {  	s0 =	sand.u32 $0x1, s1  }
0x8c: {  	s17 =	sshll.u32 s0, $0xA;
	s2 =	sadd.s32 s3, s2  }
0x8d: {  	s2 =	sadd.s32 s2, s17  }
0x8e: {  	[smem:$0x3FC6] =	sst s2  }
0x8f: {  	_ = 	snop  }
0x90: {  	s2 =	sld [smem:$0x3FD0];
	(tm) =	ssettm $0x1  }
0x91: {  	s18 =	sld [smem:$0x3FFB];
	_ =	sdelay $0x3  }
0x92: {  	_ =	strace s18  }
0x93: {  	s3 =	sld [smem:$0x3FFC];
	_ =	sdelay $0x3  }
0x94: {  	_ =	strace s3  }
0x95: {  	s3 =	sld [smem:$0x3FFD];
	_ =	sdelay $0x3  }
0x96: {  	_ =	strace s3  }
0x97: {  	_ =	strace $0x8FFFFFFF  }
0x98: {  	s19 =	sld [smem:$0x3FDB];
	_ =	sdelay $0x1  }
0x99: {  	s4 =	simm.s32 $_scs_section_size  }
0x9a: {  	s5 =	simm.s32 $_size__tile_overlayer_lowered;
	s6 =	simm.s32 $_tile_overlayer_lowered  }
0x9b: {  	s22 =	simm.s32 $0x1BFF;
	s21 =	sshll.u32 s6, $0x1;
	s3 =	sadd.s32 s4, s19  }
0x9c: {  	s7 =	simm.s32 $0x0;
	s20 =	sshll.u32 s5, $0x1;
	s5 =	sadd.s32 s21, s3  }
0x9d: {  	[timem:s7], [sflag:s22] =	dma.local [hbm:s5], s20  }
0x9e: {  	_ =	swait.ge [sflag:s22], s20  }
0x9f: {  	s4 =	ssub.s32 $0x0, s20;
	[sflag:s22] =	ssyncset.done $0x0  }
0xa0: {  	[sflag:s22] =	ssyncadd.s32 s4;
	_ =	sdelay $0x1  }
0xa1: {  	s23 =	simm.s32 $0x1B8B  }
0xa2: {  	_ =	swait.ge [sflag:s23], $0x1  }
0xa3: {  	[sflag:s23] =	ssyncset.done $0x0  }
0xa4: {  	s25 =	simm.s32 $0x1B8E;
	s24 =	sld [smem:$0x3FFE];
	[sflag:s23] =	ssyncadd.s32 $0xFFFFFFFF  }
0xa5: {  	s26 =	simm.s32 $execute0_lowered;
	[smem:$0x3FD2] =	sst s25  }
0xa6: {  	s5 =	sshll.u32 s26, $0x1;
	_ =	strace $0x80000046;
	[dreg:$0x1] =	wrdreg $0xFFFFFFFF  }
0xa7: {  	s28 =	simm.s32 $_size_execute0_lowered;
	s3 =	sadd.s32 s3, s5;
	[dreg:$0x0] =	wrdreg $0x0  }
0xa8: {  	s5 =	sshll.u32 s28, $0x1;
	[dreg:$0x2] =	wrdreg s3  }
0xa9: {  	[dreg:$0x3] =	wrdreg s5  }
0xaa: {  	[dreg:$0x4] =	wrdreg $0xC0  }
0xab: {  	_ =	task [dreg:s7], $0x5FFFF  }
0xac: {  	[dreg:$0x1] =	wrdreg $0xFFFFFFFF  }
0xad: {  	[dreg:$0x0] =	wrdreg $0x60  }
0xae: {  	[dreg:$0x2] =	wrdreg s2  }
0xaf: {  	[dreg:$0x3] =	wrdreg s24  }
0xb0: {  	[dreg:$0x4] =	wrdreg $0x9  }
0xb1: {  	_ =	task.clear_ibuf [dreg:s7], $0x5FFFF;
	_ =	strace $0x90000046  }
0xb2: {  	s29 =	simm.s32 $0x9;
	_ =	strace $0x80000048  }
0xb3: {  	_ =	swait.ge [sflag:s29], $0x1  }
0xb4: {  	[sflag:s29] =	ssyncadd.s32 $0xFFFFFFFF  }
0xb5: {  	_ =	strace $0x90000048  }
0xb6: {  	_ =	sfence  }
0xb7: {  	s30 =	sld [smem:$0x0];
	_ =	sdelay $0x2  }
0xb8: {  	s31 =	sshll.u32 s1, $0xD;
	s1 =	sshrl.u32 s1, $0x2  }
0xb9: {  	s3 =	sand.u32 $0x4000, s31;
	s1 =	sadd.s32 s1, s30  }
0xba: {  	s0 =	sor.u32 s3, s0;
	s1 =	sshll.u32 s1, $0x11  }
0xbb: {  	s0 =	sor.u32 s1, s0  }
0xbc: {  	s0 =	sadd.s32 $0x8F2B, s0  }
0xbd: {  	[sflag:s0] =	ssyncadd.remote.s32 $0x1  }
0xbe: {  	_ =	sfence.sel $0xFFFF  }
0xbf: {  	[dreg:$0x0] =	wrdreg $0xFFFFFFFF;
	(pc) =	sbr.abs _section_cstart, $3  }
0xc0: {  	[dreg:$0x1] =	wrdreg $0xFFFFFFFF  }
0xc1: {  	_ =	task.clear_ibuf [dreg:s7], $0x2FFFF;
	_ =	strace $0x9FFFFFFF  }
0xc2: {  	(tm) =	ssettm $0x7FFFFFFF  }
0xc3: {  	_ =	shalt  }
tec
execute0_lowered:
.L_overlay_start_1:
0x0: {  	(tag) =	ssettag $0x1  }
0x1: {  	s5 =	rddreg [dreg:$0x0]  }
0x2: {  	s4 =	rddreg [dreg:$0x1]  }
0x3: {  	s0 =	rddreg [dreg:$0x2]  }
0x4: {  	s3 =	srdreg.scid;
	s1 =	stileid.u32  }
0x5: {  	s2 =	simm.s32 $0x0;
	s10 =	simm.s32 $0x3200;
	s11 =	simm.s32 $0x7200  }
0x6: {  	s12 =	simm.s32 $0x1;
	s13 =	simm.s32 $0x2;
	s14 =	simm.s32 $0x3  }
0x7: {  	s15 =	simm.s32 $0x4;
	s16 =	simm.s32 $0x0;
	s3 =	sand.u32 $0x1, s3  }
0x8: {  	s6 =	sshll.u32 s1, $0x1;
	[smem:$0x7FF] =	sst s2;
	s7 =	ssub.s32 $0x2, s3  }
0x9: {  	s6 =	sor.u32 s3, s6;
	_ =	strace $0x80000047;
	s3 =	sadd.s32 $0xF43A00, s4  }
0xa: {  	s4 =	sadd.s32 $0x1600, s4;
	s8 =	sshrl.u32 s7, $0x1;
	s9 =	smul.u32 $0x640, s6  }
0xb: {  	s6 =	smul.u32 $0xC8000, s6;
	s7 =	ssub.s32 s7, s8;
	s8 =	simm.s32 $0x5  }
0xc: {  	s5 =	sadd.s32 s5, s9;
	s7 =	smax.u32 s7, $0x1;
	s9 =	simm.s32 $0x100  }
.LBB2_1:
0xd: {  	[tilespmem:s2], [sflag:$0x5] =	stream.linear.gather [hbm4b:s5+s2], $0x3200, $0x38;
	[tilespmem:$0xB200] =	vst v63  }
0xe: {  	_ =	swait.ge [sflag:s8], $0x3200  }
0xf: {  	[sflag:s8] =	ssyncset.done $0x0  }
0x10: {  	s17 =	simm.s32 $0x0;
	[sflag:s8] =	ssyncadd.s32 $0xFFFFCE00  }
0x11: {  	[tilespmem:s10], [sflag:$0x1] =	stream.indirect.gather [hbm4b:s3+s9], $0x40, s2, s9, $0xb8;
	[tilespmem:$0xB200] =	vst v63  }
.LBB2_2:
0x12: {  	p0 =	seq.s32 s17, $0x0  }
0x13: {  	s19 =	simm.s32 @!p0 $0x4  }
0x14: {  	s18 =	sshllo.u32 s17, $0x1;
	_ =	swait.ge @!p0 [sflag:s19], $0x4000  }
0x15: {  	s20 =	sshll.u32 s18, $0x8;
	[sflag:s19] =	ssyncset.done @!p0 $0x0  }
0x16: {  	s31 =	sand.u32 $0x3FFFFF00, s20;
	[sflag:s19] =	ssyncadd.s32 @!p0 $0xFFFFC000  }
0x17: {  	[tilespmem:s11], [sflag:$0x2] =	stream.indirect.gather [hbm4b:s3+s9], $0x40, s31, s9, $0xb8;
	[tilespmem:$0xB200] =	vst v63  }
0x18: {  	_ =	swait.ge [sflag:s12], $0x4000  }
0x19: {  	[sflag:s12] =	ssyncset.done $0x0  }
0x1a: {  	s19 =	simm.s32 $0x3280;
	[sflag:s12] =	ssyncadd.s32 $0xFFFFC000  }
0x1b: {  	v0 =	vld [tilespmem:s19+$0xFFFFFF80]  }
0x1c: {  	v1 =	vld [tilespmem:s19+$0xFFFFFF90]  }
0x1d: {  	v2 =	vld [tilespmem:s19+$0xFFFFFFA0]  }
0x1e: {  	v3 =	vld [tilespmem:s19+$0xFFFFFFB0]  }
0x1f: {  	v4 =	vld [tilespmem:s19+$0xFFFFFFC0]  }
0x20: {  	v5 =	vld [tilespmem:s19+$0xFFFFFFD0];
	v0 =	vmul.f32 $8.000000000e+00, v0  }
0x21: {  	v6 =	vld [tilespmem:s19+$0xFFFFFFE0];
	v1 =	vmul.f32 $8.000000000e+00, v1  }
0x22: {  	[tilespmem:s19+$0xFFFFFF80] =	vst v0;
	v0 =	vmul.f32 $8.000000000e+00, v2;
	v2 =	vld [tilespmem:s19+$0x0]  }
0x23: {  	[tilespmem:s19+$0xFFFFFF90] =	vst v1;
	v1 =	vmul.f32 $8.000000000e+00, v3;
	v3 =	vld [tilespmem:s19+$0x10]  }
0x24: {  	[tilespmem:s19+$0xFFFFFFA0] =	vst v0;
	v0 =	vmul.f32 $8.000000000e+00, v4;
	v4 =	vld [tilespmem:s19+$0x20]  }
0x25: {  	v7 =	vld [tilespmem:s19+$0x30];
	[tilespmem:s19+$0xFFFFFFB0] =	vst v1;
	v1 =	vmul.f32 $8.000000000e+00, v5  }
0x26: {  	v5 =	vmul.f32 $8.000000000e+00, v6;
	[tilespmem:s19+$0xFFFFFFC0] =	vst v0;
	v0 =	vld [tilespmem:s19+$0x40]  }
0x27: {  	[tilespmem:s19+$0xFFFFFFD0] =	vst v1;
	v1 =	vmul.f32 $8.000000000e+00, v2;
	v2 =	vld [tilespmem:s19+$0x50]  }
0x28: {  	[tilespmem:s19+$0xFFFFFFE0] =	vst v5;
	v6 =	vmul.f32 $8.000000000e+00, v3;
	v3 =	vld [tilespmem:s19+$0x60]  }
0x29: {  	[tilespmem:s19+$0x0] =	vst v1;
	v5 =	vmul.f32 $8.000000000e+00, v4;
	v4 =	vld [tilespmem:s19+$0x70]  }
0x2a: {  	s21 =	simm.s32 $0x3380;
	s20 =	simm.s32 $0x0;
	v1 =	vld [tilespmem:s19+$0xFFFFFFF0];
	[tilespmem:s19+$0x10] =	vst v6;
	v6 =	vmul.f32 $8.000000000e+00, v7  }
.LBB2_3:
0x2b: {  	v7 =	vld [tilespmem:s21+$0xFFFFFF80];
	[tilespmem:s19+$0x20] =	vst v5;
	v0 =	vmul.f32 $8.000000000e+00, v0  }
0x2c: {  	v5 =	vld [tilespmem:s21+$0xFFFFFF90];
	[tilespmem:s19+$0x30] =	vst v6;
	v2 =	vmul.f32 $8.000000000e+00, v2  }
0x2d: {  	v6 =	vld [tilespmem:s21+$0xFFFFFFA0];
	[tilespmem:s19+$0x40] =	vst v0;
	v0 =	vmul.f32 $8.000000000e+00, v3  }
0x2e: {  	v3 =	vld [tilespmem:s21+$0xFFFFFFB0];
	[tilespmem:s19+$0x50] =	vst v2;
	v2 =	vmul.f32 $8.000000000e+00, v4  }
0x2f: {  	v4 =	vld [tilespmem:s21+$0xFFFFFFC0];
	v1 =	vmul.f32 $8.000000000e+00, v1;
	[tilespmem:s19+$0x60] =	vst v0  }
0x30: {  	v0 =	vmul.f32 $8.000000000e+00, v7;
	v7 =	vld [tilespmem:s21+$0xFFFFFFD0];
	[tilespmem:s19+$0x70] =	vst v2  }
0x31: {  	v2 =	vmul.f32 $8.000000000e+00, v5;
	v5 =	vld [tilespmem:s21+$0xFFFFFFE0];
	[tilespmem:s19+$0xFFFFFFF0] =	vst v1;
	s19 =	smov.u32 s21  }
0x32: {  	[tilespmem:s21+$0xFFFFFF80] =	vst v0;
	v0 =	vmul.f32 $8.000000000e+00, v6;
	v1 =	vld [tilespmem:s21+$0x0]  }
0x33: {  	[tilespmem:s21+$0xFFFFFF90] =	vst v2;
	v2 =	vmul.f32 $8.000000000e+00, v3;
	v3 =	vld [tilespmem:s21+$0x10]  }
0x34: {  	s20 =	sadd.s32 $0x4, s20;
	[tilespmem:s21+$0xFFFFFFA0] =	vst v0;
	v0 =	vmul.f32 $8.000000000e+00, v4;
	v4 =	vld [tilespmem:s21+$0x20]  }
0x35: {  	p0 =	slt.u32 s20, $0xFC;
	[tilespmem:s21+$0xFFFFFFB0] =	vst v2;
	v2 =	vmul.f32 $8.000000000e+00, v7;
	v6 =	vld [tilespmem:s21+$0x30]  }
.Ltmp0:
0x36: {  	[tilespmem:s21+$0xFFFFFFC0] =	vst v0;
	v5 =	vmul.f32 $8.000000000e+00, v5;
	v0 =	vld [tilespmem:s21+$0x40];
	(pc) =	sbr.rel @p0 .LBB2_3-.Ltmp0, $4  }
0x37: {  	[tilespmem:s21+$0xFFFFFFD0] =	vst v2;
	v1 =	vmul.f32 $8.000000000e+00, v1;
	v2 =	vld [tilespmem:s21+$0x50]  }
0x38: {  	[tilespmem:s21+$0xFFFFFFE0] =	vst v5;
	v7 =	vmul.f32 $8.000000000e+00, v3;
	v3 =	vld [tilespmem:s21+$0x60]  }
0x39: {  	[tilespmem:s21+$0x0] =	vst v1;
	v5 =	vmul.f32 $8.000000000e+00, v4;
	v4 =	vld [tilespmem:s21+$0x70]  }
0x3a: {  	s21 =	sadd.s32 $0x100, s21;
	v1 =	vld [tilespmem:s19+$0xFFFFFFF0];
	[tilespmem:s19+$0x10] =	vst v7;
	v6 =	vmul.f32 $8.000000000e+00, v6  }
0x3b: {  	[tilespmem:s19+$0x20] =	vst v5;
	v0 =	vmul.f32 $8.000000000e+00, v0  }
0x3c: {  	[tilespmem:s19+$0x30] =	vst v6;
	v2 =	vmul.f32 $8.000000000e+00, v2  }
0x3d: {  	[tilespmem:s19+$0x40] =	vst v0;
	v0 =	vmul.f32 $8.000000000e+00, v3  }
0x3e: {  	s20 =	sshll.u32 s17, $0xF;
	[tilespmem:s19+$0x50] =	vst v2;
	v2 =	vmul.f32 $8.000000000e+00, v4  }
0x3f: {  	s20 =	sadd.s32 s6, s20;
	v1 =	vmul.f32 $8.000000000e+00, v1;
	[tilespmem:s19+$0x60] =	vst v0  }
0x40: {  	p0 =	seq.s32 s17, $0x18;
	s20 =	sshrl.u32 s20, $0x3;
	[tilespmem:s19+$0x70] =	vst v2  }
0x41: {  	s31 =	sadd.s32 s4, s20;
	[tilespmem:s19+$0xFFFFFFF0] =	vst v1;
	s19 =	simm.s32 @!p0 $0x3  }
0x42: {  	[hbm4b:s31+s2] =	stream.linear.scatter [tilespmem:s10], [sflag:$0x3], $0x4000, $0x38;
	[tilespmem:$0xB200] =	vst v63  }
0x43: {  	_ =	swait.ge @!p0 [sflag:s19], $0x4000  }
0x44: {  	s20 =	sshll.u32 @!p0 s17, $0x9;
	[sflag:s19] =	ssyncset.done @!p0 $0x0  }
0x45: {  	[sflag:s19] =	ssyncadd.s32 @!p0 $0xFFFFC000;
	s19 =	sand.u32 @!p0 $0x3FFFFE00, s20  }
0x46: {  	s21 =	simm.s32 @!p0 $0x3200;
	s20 =	simm.s32 @!p0 $0x100;
	s19 =	sadd.s32 @!p0 $0x200, s19  }
0x47: {  	[tilespmem:s21], [sflag:$0x1] =	stream.indirect.gather @!p0 [hbm4b:s3+s20], $0x40, s19, s20, $0xb8;
	[tilespmem:$0xB200] =	vst v63  }
0x48: {  	_ =	swait.ge [sflag:s13], $0x4000  }
0x49: {  	[sflag:s13] =	ssyncset.done $0x0  }
0x4a: {  	s19 =	simm.s32 $0x7280;
	[sflag:s13] =	ssyncadd.s32 $0xFFFFC000  }
0x4b: {  	v0 =	vld [tilespmem:s19+$0xFFFFFF80]  }
0x4c: {  	v1 =	vld [tilespmem:s19+$0xFFFFFF90]  }
0x4d: {  	v2 =	vld [tilespmem:s19+$0xFFFFFFA0]  }
0x4e: {  	v3 =	vld [tilespmem:s19+$0xFFFFFFB0]  }
0x4f: {  	v4 =	vld [tilespmem:s19+$0xFFFFFFC0]  }
0x50: {  	v5 =	vld [tilespmem:s19+$0xFFFFFFD0];
	v0 =	vmul.f32 $8.000000000e+00, v0  }
0x51: {  	v6 =	vld [tilespmem:s19+$0xFFFFFFE0];
	v1 =	vmul.f32 $8.000000000e+00, v1  }
0x52: {  	[tilespmem:s19+$0xFFFFFF80] =	vst v0;
	v0 =	vmul.f32 $8.000000000e+00, v2;
	v2 =	vld [tilespmem:s19+$0x0]  }
0x53: {  	[tilespmem:s19+$0xFFFFFF90] =	vst v1;
	v1 =	vmul.f32 $8.000000000e+00, v3;
	v3 =	vld [tilespmem:s19+$0x10]  }
0x54: {  	[tilespmem:s19+$0xFFFFFFA0] =	vst v0;
	v0 =	vmul.f32 $8.000000000e+00, v4;
	v4 =	vld [tilespmem:s19+$0x20]  }
0x55: {  	v7 =	vld [tilespmem:s19+$0x30];
	[tilespmem:s19+$0xFFFFFFB0] =	vst v1;
	v1 =	vmul.f32 $8.000000000e+00, v5  }
0x56: {  	v5 =	vmul.f32 $8.000000000e+00, v6;
	[tilespmem:s19+$0xFFFFFFC0] =	vst v0;
	v0 =	vld [tilespmem:s19+$0x40]  }
0x57: {  	[tilespmem:s19+$0xFFFFFFD0] =	vst v1;
	v1 =	vmul.f32 $8.000000000e+00, v2;
	v2 =	vld [tilespmem:s19+$0x50]  }
0x58: {  	[tilespmem:s19+$0xFFFFFFE0] =	vst v5;
	v6 =	vmul.f32 $8.000000000e+00, v3;
	v3 =	vld [tilespmem:s19+$0x60]  }
0x59: {  	[tilespmem:s19+$0x0] =	vst v1;
	v5 =	vmul.f32 $8.000000000e+00, v4;
	v4 =	vld [tilespmem:s19+$0x70]  }
0x5a: {  	s20 =	simm.s32 $0x0;
	s21 =	simm.s32 $0x7380;
	v1 =	vld [tilespmem:s19+$0xFFFFFFF0];
	[tilespmem:s19+$0x10] =	vst v6;
	v6 =	vmul.f32 $8.000000000e+00, v7  }
.LBB2_5:
0x5b: {  	v7 =	vld [tilespmem:s21+$0xFFFFFF80];
	[tilespmem:s19+$0x20] =	vst v5;
	v0 =	vmul.f32 $8.000000000e+00, v0  }
0x5c: {  	v5 =	vld [tilespmem:s21+$0xFFFFFF90];
	[tilespmem:s19+$0x30] =	vst v6;
	v2 =	vmul.f32 $8.000000000e+00, v2  }
0x5d: {  	v6 =	vld [tilespmem:s21+$0xFFFFFFA0];
	[tilespmem:s19+$0x40] =	vst v0;
	v0 =	vmul.f32 $8.000000000e+00, v3  }
0x5e: {  	v3 =	vld [tilespmem:s21+$0xFFFFFFB0];
	[tilespmem:s19+$0x50] =	vst v2;
	v2 =	vmul.f32 $8.000000000e+00, v4  }
0x5f: {  	v4 =	vld [tilespmem:s21+$0xFFFFFFC0];
	v1 =	vmul.f32 $8.000000000e+00, v1;
	[tilespmem:s19+$0x60] =	vst v0  }
0x60: {  	v0 =	vmul.f32 $8.000000000e+00, v7;
	v7 =	vld [tilespmem:s21+$0xFFFFFFD0];
	[tilespmem:s19+$0x70] =	vst v2  }
0x61: {  	v2 =	vmul.f32 $8.000000000e+00, v5;
	v5 =	vld [tilespmem:s21+$0xFFFFFFE0];
	[tilespmem:s19+$0xFFFFFFF0] =	vst v1;
	s19 =	smov.u32 s21  }
0x62: {  	[tilespmem:s21+$0xFFFFFF80] =	vst v0;
	v0 =	vmul.f32 $8.000000000e+00, v6;
	v1 =	vld [tilespmem:s21+$0x0]  }
0x63: {  	[tilespmem:s21+$0xFFFFFF90] =	vst v2;
	v2 =	vmul.f32 $8.000000000e+00, v3;
	v3 =	vld [tilespmem:s21+$0x10]  }
0x64: {  	s20 =	sadd.s32 $0x4, s20;
	[tilespmem:s21+$0xFFFFFFA0] =	vst v0;
	v0 =	vmul.f32 $8.000000000e+00, v4;
	v4 =	vld [tilespmem:s21+$0x20]  }
0x65: {  	p0 =	slt.u32 s20, $0xFC;
	[tilespmem:s21+$0xFFFFFFB0] =	vst v2;
	v2 =	vmul.f32 $8.000000000e+00, v7;
	v6 =	vld [tilespmem:s21+$0x30]  }
.Ltmp1:
0x66: {  	[tilespmem:s21+$0xFFFFFFC0] =	vst v0;
	v5 =	vmul.f32 $8.000000000e+00, v5;
	v0 =	vld [tilespmem:s21+$0x40];
	(pc) =	sbr.rel @p0 .LBB2_5-.Ltmp1, $4  }
0x67: {  	[tilespmem:s21+$0xFFFFFFD0] =	vst v2;
	v1 =	vmul.f32 $8.000000000e+00, v1;
	v2 =	vld [tilespmem:s21+$0x50]  }
0x68: {  	[tilespmem:s21+$0xFFFFFFE0] =	vst v5;
	v7 =	vmul.f32 $8.000000000e+00, v3;
	v3 =	vld [tilespmem:s21+$0x60]  }
0x69: {  	[tilespmem:s21+$0x0] =	vst v1;
	v5 =	vmul.f32 $8.000000000e+00, v4;
	v4 =	vld [tilespmem:s21+$0x70]  }
0x6a: {  	s21 =	sadd.s32 $0x100, s21;
	v1 =	vld [tilespmem:s19+$0xFFFFFFF0];
	[tilespmem:s19+$0x10] =	vst v7;
	v6 =	vmul.f32 $8.000000000e+00, v6  }
0x6b: {  	[tilespmem:s19+$0x20] =	vst v5;
	v0 =	vmul.f32 $8.000000000e+00, v0  }
0x6c: {  	s17 =	sadd.s32 $0x1, s17;
	[tilespmem:s19+$0x30] =	vst v6;
	v2 =	vmul.f32 $8.000000000e+00, v2  }
0x6d: {  	p0 =	sne.s32 s17, $0x19;
	[tilespmem:s19+$0x40] =	vst v0;
	v62 =	vmul.f32 $8.000000000e+00, v3  }
.Ltmp2:
0x6e: {  	s18 =	sshll.u32 s18, $0xE;
	[tilespmem:s19+$0x50] =	vst v2;
	v63 =	vmul.f32 $8.000000000e+00, v4;
	(pc) =	sbr.rel @p0 .LBB2_2-.Ltmp2, $4  }
0x6f: {  	s18 =	sadd.s32 s6, s18;
	v1 =	vmul.f32 $8.000000000e+00, v1;
	[tilespmem:s19+$0x60] =	vst v62  }
0x70: {  	s18 =	sshrl.u32 s18, $0x3;
	[tilespmem:s19+$0x70] =	vst v63  }
0x71: {  	s18 =	sadd.s32 s4, s18;
	[tilespmem:s19+$0xFFFFFFF0] =	vst v1  }
0x72: {  	[hbm4b:s18+s2] =	stream.linear.scatter [tilespmem:s11], [sflag:$0x4], $0x4000, $0x38;
	[tilespmem:$0xB200] =	vst v63  }
0x73: {  	s16 =	sadd.s32 $0x1, s16  }
0x74: {  	_ =	swait.ge [sflag:s14], $0x4000;
	p0 =	sne.s32 s16, s7  }
.Ltmp3:
0x75: {  	[sflag:s14] =	ssyncset.done $0x0;
	(pc) =	sbr.rel @p0 .LBB2_1-.Ltmp3, $4  }
0x76: {  	[sflag:s14] =	ssyncadd.s32 $0xFFFFC000  }
0x77: {  	_ =	swait.ge [sflag:s15], $0x4000  }
0x78: {  	[sflag:s15] =	ssyncset.done $0x0  }
0x79: {  	[sflag:s15] =	ssyncadd.s32 $0xFFFFC000  }
0x7a: {  	_ =	sfence.sel $0x180000  }
0x7b: {  	[bflag:$0x0] =	sbarrier.arrive $0xFFFF  }
0x7c: {  	p0 =	sne.s32 s1, $0x0;
	_ =	strace $0x90000047  }
0x7d: {  	s0 =	sadd.s32 @!p0 $0x100000, s0;
	[bflag:$0x2] =	sbarrier.arrive $0xFFFF  }
0x7e: {  	[sflag:s0] =	ssyncadd.tile.s32 @!p0 $0x1;
	_ =	shalt  }
.Lfunc_end2:
_tile_overlayer_lowered:
.L_overlay_start_2:
0x7f: {  	(tag) =	ssettag $0x2  }
0x80: {  	s0 =	rddreg [dreg:$0x0];
	s2 =	stileid.u32  }
0x81: {  	s1 =	rddreg [dreg:$0x1];
	p0 =	sne.s32 s2, $0x0  }
0x82: {  	s3 =	rddreg [dreg:$0x2];
	[bflag:$0x3] =	sbarrier.arrive $0xFFFF;
	s2 =	simm.s32 @!p0 $0x1C05  }
0x83: {  	[timem:s3], [sflag:s2] =	dma.local @!p0 [hbm:s0], s1  }
0x84: {  	s0 =	simm.s32 @!p0 $0x5  }
0x85: {  	_ =	swait.ge @!p0 [sflag:s0], s1  }
0x86: {  	s1 =	ssub.s32 @!p0 $0x0, s1;
	[sflag:s0] =	ssyncset.done @!p0 $0x0  }
0x87: {  	[sflag:s0] =	ssyncadd.s32 @!p0 s1  }
0x88: {  	[bflag:$0x3] =	sbarrier.arrive $0xFFFF  }
0x89: {  	_ =	shalt  }

// kernel: sparse-core-data-format-call.1.cloned.1.call-start
scs
called_computation.1_lowered:
.L_overlay_start_0:
0x0: {  	s2 =	sld [smem:$0x3FD9]  }
0x1: {  	s3 =	sld [smem:$0x3FFE];
	_ =	sdelay $0x1  }
0x2: {  	s1 =	srdreg.scid  }
0x3: {  	s0 =	sand.u32 $0x1, s1  }
0x4: {  	s18 =	sshll.u32 s0, $0xA;
	s2 =	sadd.s32 s3, s2  }
0x5: {  	s2 =	sadd.s32 s2, s18  }
0x6: {  	[smem:$0x3FC6] =	sst s2  }
0x7: {  	_ = 	snop  }
0x8: {  	s19 =	sld [smem:$0x3FD0];
	(tm) =	ssettm $0x1  }
0x9: {  	s20 =	sld [smem:$0x3FFB];
	_ =	sdelay $0x3  }
0xa: {  	_ =	strace s20  }
0xb: {  	s2 =	sld [smem:$0x3FFC];
	_ =	sdelay $0x3  }
0xc: {  	_ =	strace s2  }
0xd: {  	s2 =	sld [smem:$0x3FFD];
	_ =	sdelay $0x3  }
0xe: {  	_ =	strace s2  }
0xf: {  	_ =	strace $0x8FFFFFFF  }
0x10: {  	s21 =	sld [smem:$0x3FDB];
	_ =	sdelay $0x1  }
0x11: {  	s4 =	simm.s32 $_scs_section_size  }
0x12: {  	s5 =	simm.s32 $_size__tile_overlayer_lowered;
	s6 =	simm.s32 $_tile_overlayer_lowered  }
0x13: {  	s7 =	simm.s32 $0x1BFF;
	s22 =	sshll.u32 s6, $0x1;
	s4 =	sadd.s32 s4, s21  }
0x14: {  	s23 =	simm.s32 $0x0;
	s5 =	sshll.u32 s5, $0x1;
	s6 =	sadd.s32 s22, s4  }
0x15: {  	[timem:s23], [sflag:s7] =	dma.local [hbm:s6], s5  }
0x16: {  	_ =	swait.ge [sflag:s7], s5  }
0x17: {  	s5 =	ssub.s32 $0x0, s5;
	[sflag:s7] =	ssyncset.done $0x0  }
0x18: {  	[sflag:s7] =	ssyncadd.s32 s5;
	_ =	sdelay $0x1  }
0x19: {  	s24 =	simm.s32 $0x1B8B  }
0x1a: {  	_ =	swait.ge [sflag:s24], $0x1  }
0x1b: {  	[sflag:s24] =	ssyncset.done $0x0  }
0x1c: {  	[sflag:s24] =	ssyncadd.s32 $0xFFFFFFFF  }
0x1d: {  	s5 =	sld [smem:$0x0]  }
0x1e: {  	s6 =	sand.u32 $0xFFFFFFFE, s1  }
0x1f: {  	p0 =	sne.s32 s1, s6  }
0x20: {  	s6 =	sshll.u32 @p0 s6, $0xE  }
0x21: {  	s6 =	sadd.s32 @p0 $0x11B8D, s6;
	s7 =	sshll.u32 @p0 s5, $0x11  }
0x22: {  	s6 =	sor.u32 @p0 s7, s6  }
0x23: {  	[sflag:s6] =	ssyncadd.remote.s32 @p0 $0x1;
	_ =	sdelay $0x1  }
0x24: {  	s6 =	simm.s32 @p0 $0x1B8D  }
0x25: {  	_ =	swait.eq @p0 [sflag:s6], $0x1  }
0x26: {  	[sflag:s6] =	ssyncadd.s32 @p0 $0xFFFFFFFF  }
0x27: {  	s7 =	sshll.u32 @!p0 s1, $0xE  }
0x28: {  	s7 =	sor.u32 @!p0 $0x4000, s7;
	s6 =	simm.s32 @!p0 $0x1B8D  }
0x29: {  	s5 =	sshll.u32 @!p0 s5, $0x11;
	s7 =	sadd.s32 @!p0 $0x11B8D, s7;
	_ =	swait.eq @!p0 [sflag:s6], $0x1  }
0x2a: {  	s5 =	sor.u32 @!p0 s5, s7;
	[sflag:s6] =	ssyncadd.s32 @!p0 $0xFFFFFFFF  }
0x2b: {  	s26 =	simm.s32 $0x1B8E;
	s25 =	sld [smem:$0x3FFE];
	[sflag:s5] =	ssyncadd.remote.s32 @!p0 $0x1  }
0x2c: {  	s27 =	simm.s32 $execute0_lowered;
	[smem:$0x3FD2] =	sst s26  }
0x2d: {  	s6 =	sshll.u32 s27, $0x1;
	_ =	strace $0x8000004C;
	[dreg:$0x1] =	wrdreg $0xFFFFFFFF  }
0x2e: {  	s28 =	simm.s32 $_size_execute0_lowered;
	s4 =	sadd.s32 s4, s6;
	[dreg:$0x0] =	wrdreg $0x0  }
0x2f: {  	s6 =	sshll.u32 s28, $0x1;
	[dreg:$0x2] =	wrdreg s4  }
0x30: {  	[dreg:$0x3] =	wrdreg s6  }
0x31: {  	[dreg:$0x4] =	wrdreg $0xC0  }
0x32: {  	_ =	task [dreg:s23], $0x5FFFF  }
0x33: {  	[dreg:$0x1] =	wrdreg $0xFFFFFFFF  }
0x34: {  	[dreg:$0x0] =	wrdreg $0x60  }
0x35: {  	[dreg:$0x2] =	wrdreg s19  }
0x36: {  	[dreg:$0x3] =	wrdreg s25  }
0x37: {  	[dreg:$0x4] =	wrdreg $0x9  }
0x38: {  	_ =	task.clear_ibuf [dreg:s23], $0x5FFFF;
	_ =	strace $0x9000004C  }
0x39: {  	s29 =	simm.s32 $0x9;
	_ =	strace $0x8000004E  }
0x3a: {  	_ =	swait.ge [sflag:s29], $0x1  }
0x3b: {  	[sflag:s29] =	ssyncadd.s32 $0xFFFFFFFF  }
0x3c: {  	_ =	strace $0x9000004E  }
0x3d: {  	_ =	sfence  }
0x3e: {  	s30 =	sld [smem:$0x0];
	_ =	sdelay $0x2  }
0x3f: {  	s31 =	sshll.u32 s1, $0xD;
	s1 =	sshrl.u32 s1, $0x2  }
0x40: {  	s4 =	sand.u32 $0x4000, s31;
	s1 =	sadd.s32 s1, s30  }
0x41: {  	s0 =	sor.u32 s4, s0;
	s1 =	sshll.u32 s1, $0x11  }
0x42: {  	s0 =	sor.u32 s1, s0  }
0x43: {  	s0 =	sadd.s32 $0x8F2B, s0  }
0x44: {  	[sflag:s0] =	ssyncadd.remote.s32 $0x1  }
0x45: {  	_ =	sfence.sel $0xFFFF  }
0x46: {  	[dreg:$0x0] =	wrdreg $0xFFFFFFFF;
	(pc) =	sbr.abs _section_cstart, $3  }
0x47: {  	[dreg:$0x1] =	wrdreg $0xFFFFFFFF  }
0x48: {  	_ =	task.clear_ibuf [dreg:s23], $0x2FFFF;
	_ =	strace $0x9FFFFFFF  }
0x49: {  	(tm) =	ssettm $0x7FFFFFFF  }
tec
execute0_lowered:
.L_overlay_start_1:
0x0: {  	(tag) =	ssettag $0x1  }
0x1: {  	s2 =	rddreg [dreg:$0x0]  }
0x2: {  	s0 =	stileid.u32;
	s7 =	rddreg [dreg:$0x1]  }
0x3: {  	s1 =	rddreg [dreg:$0x2];
	s4 =	srdreg.scid;
	_ =	strace $0x8000004D  }
0x4: {  	s31 =	simm.s32 $0x2;
	s13 =	simm.s32 $0x0;
	s3 =	sshll.u32 s0, $0x7  }
0x5: {  	s14 =	simm.s32 $0x0;
	s4 =	sand.u32 $0x1, s4;
	s5 =	ssub.s32 $0x800, s3  }
0x6: {  	s12 =	simm.s32 $0x0;
	s8 =	ssub.s32 $0xC8, s4;
	s6 =	sand.u32 $0x780, s5  }
0x7: {  	s9 =	sshrl.u32 s5, $0xB;
	p0 =	sne.s32 s6, $0x0;
	s6 =	simm.s32 $0x1  }
.Ltmp0:
0x8: {  	s10 =	sshrl.u32 s8, $0x1;
	s6 =	simm.s32 @!p0 $0x0;
	(pc) =	sbr.rel .LBB1_1-.Ltmp0, $4  }
0x9: {  	s5 =	simm.s32 $0x1;
	s8 =	ssub.s32 s8, s10;
	s6 =	sadd.s32 s6, s9  }
0xa: {  	s7 =	sadd.s32 $0x1600, s7;
	[sflag:s5] =	ssyncpa.u1 $0x0;
	s6 =	smul.u32 s8, s6  }
0xb: {  	s11 =	smov.u32 s3;
	s10 =	smov.u32 s4;
	[sflag:s31] =	ssyncpa.u1 $0x0  }
0xc: {  	p0 =	por $0x0, $0x0;
	s9 =	simm.s32 $0x4000;
	s8 =	sadd.s32 $0x1, s6  }
.LBB1_4:
0xd: {  	s17 =	sshll.u32 s14, $0x3;
	s18 =	sand.u32 $0x78, s14  }
0xe: {  	s30 =	sand.u32 $0x3F00, s14;
	s13 =	sshll.u32 s13, $0xE;
	s17 =	sand.u32 $0x400, s17  }
0xf: {  	[tilespmem:s16+$0x810 ss:$0x81] =	vst.msk $0xffff, v2;
	s31 =	sand.u32 $0x7, s14;
	s17 =	sor.u32 s18, s17;
	s18 =	sadd.s32 s7, s30  }
0x10: {  	[tilespmem:s16+$0x1020 ss:$0x81] =	vst.msk $0xffff, v0;
	s14 =	sshll.u32 s31, $0x12;
	s13 =	sadd.s32 s13, s18;
	s17 =	sshrl.u32 s17, $0x3  }
0x11: {  	[tilespmem:s16+$0x0 ss:$0x81] =	vst.msk $0xffff, v1;
	s14 =	sor.u32 $0x400, s14;
	s13 =	sadd.s32 s17, s13  }
0x12: {  	[hbm4b:s13+s14] =	stream.strided.scatter [tilespmem:s15], [sflag:$0x2], $0x2000, s9, s14, $0x20;
	[tilespmem:$0x8080] =	vst v63  }
.LBB1_5:
0x13: {  	s15 =	sadd.s32 $0x2, s10  }
0x14: {  	s13 =	sadd.s32 $0x800, s11;
	s17 =	smov.u32 s11;
	p2 =	sgt.s32 s15, $0xC7  }
0x15: {  	s17 =	smov.u32 @p2 s13  }
0x16: {  	s15 =	smov.u32 @p2 s4;
	p2 =	sgt.s32 s17, $0x7FF  }
0x17: {  	s17 =	smov.u32 @p2 s3;
	p2 =	sne.s32 s12, s8  }
.Ltmp1:
0x18: {  	p1 =	slt.u32 s12, $0x2;
	(pc) =	sbr.rel @!p2 .LBB1_6-.Ltmp1, $4  }
0x19: {  	s16 =	simm.s32 @!p1 $0x2  }
0x1a: {  	s14 =	smov.u32 s11;
	p0 =	por !p0, !p0;
	_ =	swait.ge @!p1 [sflag:s16], $0x2000  }
0x1b: {  	s13 =	smov.u32 s10;
	[sflag:s16] =	ssyncset.done @!p1 $0x0;
	s10 =	smov.u32 s15  }
0x1c: {  	s12 =	sadd.s32 $0x1, s12;
	[sflag:s16] =	ssyncadd.s32 @!p1 $0xFFFFE000;
	s11 =	smov.u32 s17  }
.LBB1_1:
0x1d: {  	p1 =	sge.u32 s12, s6  }
0x1e: {  	s15 =	sand.u32 @!p1 $0x1FFFFFF, s10  }
0x1f: {  	s16 =	smulhi.u32 @!p1 $0x147AE15, s15;
	_ =	sdelay $0x1  }
0x20: {  	s16 =	smul.u32 @!p1 $0xC8, s16  }
0x21: {  	s17 =	sxor.u32 @!p1 $0xFFFFFFFF, s12;
	s18 =	smul.u32 @!p1 $0xC80, s11  }
0x22: {  	s31 =	sadd.s32 $0xFFFFFFFF, s12;
	s17 =	sshll.u32 @!p1 s17, $0xD;
	s15 =	ssub.s32 @!p1 s15, s16  }
0x23: {  	s16 =	sand.u32 @!p1 $0x2000, s17;
	s17 =	sadd.s32 @!p1 s2, s18;
	s15 =	sshll.u32 @!p1 s15, $0x4  }
0x24: {  	s18 =	simm.s32 @!p1 $0x6400;
	s15 =	sadd.s32 @!p1 s15, s17;
	s17 =	simm.s32 @!p1 $0x40  }
0x25: {  	[tilespmem:s16], [sflag:$0x1] =	stream.strided.gather @!p1 [hbm4b:s15+s17], $0x2000, s18, s17, $0x38;
	[tilespmem:$0x8080] =	vst v63  }
0x26: {  	p1 =	sge.u32 s31, s6  }
.Ltmp2:
0x27: {  	_ = 	snop;
	(pc) =	sbr.rel @p1 .LBB1_5-.Ltmp2, $1  }
0x28: {  	_ =	sdelay $0x3  }
0x29: {  	s15 =	simm.s32 $0x1  }
0x2a: {  	_ =	swait.ge [sflag:s5], $0x2000;
	s15 =	simm.s32 @!p0 $0x0  }
0x2b: {  	[sflag:s5] =	ssyncset.done $0x0;
	s16 =	sshll.u32 s15, $0xD  }
0x2c: {  	[sflag:s5] =	ssyncadd.s32 $0xFFFFE000;
	s19 =	sor.u32 $0x20, s16  }
0x2d: {  	s15 =	smul.u32 $0x8100, s15;
	v3 =	vld [tilespmem:s19+$0x10]  }
0x2e: {  	s30 =	sand.u32 $0x1, s12;
	v2 =	vld [tilespmem:s19+$0xFFFFFFF0]  }
0x2f: {  	s16 =	smul.u32 $0x8100, s30;
	s15 =	sshrl.u32 s15, $0x2;
	v0 =	vld [tilespmem:s19+$0x0]  }
0x30: {  	v1 =	vld [tilespmem:s19+$0xFFFFFFE0];
	s17 =	sor.u32 $0x4000, s15  }
0x31: {  	s31 =	sshrl.u32 s16, $0x2;
	s16 =	sadd.s32 $0x0, s17  }
0x32: {  	s18 =	simm.s32 $0x4;
	s19 =	sadd.s32 $0x40, s19;
	s15 =	sor.u32 $0x4000, s31;
	[tilespmem:s16+$0x1830 ss:$0x81] =	vst.msk $0xffff, v3  }
.LBB1_3:
0x33: {  	v3 =	vld [tilespmem:s19+$0x10];
	p1 =	sne.s32 s18, $0x1FC;
	[tilespmem:s16+$0x810 ss:$0x81] =	vst.msk $0xffff, v2;
	s20 =	smov.u32 s18;
	s18 =	sadd.s32 $0x4, s18  }
.Ltmp3:
0x34: {  	v2 =	vld [tilespmem:s19+$0xFFFFFFF0];
	[tilespmem:s16+$0x1020 ss:$0x81] =	vst.msk $0xffff, v0;
	(pc) =	sbr.rel @p1 .LBB1_3-.Ltmp3, $4  }
0x35: {  	v0 =	vld [tilespmem:s19+$0x0];
	[tilespmem:s16+$0x0 ss:$0x81] =	vst.msk $0xffff, v1  }
0x36: {  	s16 =	sshra.s32 s20, $0x2;
	v1 =	vld [tilespmem:s19+$0xFFFFFFE0]  }
0x37: {  	s16 =	sadd.s32 s16, s17  }
0x38: {  	s19 =	sadd.s32 $0x40, s19;
	[tilespmem:s16+$0x1830 ss:$0x81] =	vst.msk $0xffff, v3  }
.Ltmp4:
0x39: {  	_ = 	snop;
	(pc) =	sbr.rel .LBB1_4-.Ltmp4, $1  }
0x3a: {  	_ =	sdelay $0x3  }
.LBB1_6:
0x3b: {  	_ =	sfence.sel $0x180000  }
0x3c: {  	s2 =	simm.s32 $0x1;
	[bflag:$0x0] =	sbarrier.arrive $0xFFFF  }
0x3d: {  	s31 =	simm.s32 $0x2;
	[sflag:s2] =	ssyncpa.u1 $0x1  }
0x3e: {  	[sflag:s31] =	ssyncpa.u1 $0x1  }
0x3f: {  	p0 =	sne.s32 s0, $0x0;
	_ =	strace $0x9000004D  }
0x40: {  	s0 =	sadd.s32 @!p0 $0x100000, s1;
	[bflag:$0x2] =	sbarrier.arrive $0xFFFF  }
0x41: {  	[sflag:s0] =	ssyncadd.tile.s32 @!p0 $0x1;
	_ =	shalt  }
.Lfunc_end1:
_tile_overlayer_lowered:
.L_overlay_start_2:
0x42: {  	(tag) =	ssettag $0x2  }
0x43: {  	s0 =	rddreg [dreg:$0x0];
	s2 =	stileid.u32  }
0x44: {  	s1 =	rddreg [dreg:$0x1];
	p0 =	sne.s32 s2, $0x0  }
0x45: {  	s3 =	rddreg [dreg:$0x2];
	[bflag:$0x3] =	sbarrier.arrive $0xFFFF;
	s2 =	simm.s32 @!p0 $0x1C01  }
0x46: {  	[timem:s3], [sflag:s2] =	dma.local @!p0 [hbm:s0], s1  }
0x47: {  	s0 =	simm.s32 @!p0 $0x1  }
0x48: {  	_ =	swait.ge @!p0 [sflag:s0], s1  }
0x49: {  	s1 =	ssub.s32 @!p0 $0x0, s1;
	[sflag:s0] =	ssyncset.done @!p0 $0x0  }
0x4a: {  	[sflag:s0] =	ssyncadd.s32 @!p0 s1  }
0x4b: {  	[bflag:$0x3] =	sbarrier.arrive $0xFFFF  }
0x4c: {  	_ =	shalt  }

// kernel: sparse-core-data-format-call.cloned.1.call-start
scs
called_computation_lowered:
.L_overlay_start_0:
0x0: {  	s2 =	sld [smem:$0x3FD9]  }
0x1: {  	s3 =	sld [smem:$0x3FFE];
	_ =	sdelay $0x1  }
0x2: {  	s1 =	srdreg.scid  }
0x3: {  	s0 =	sand.u32 $0x1, s1  }
0x4: {  	s18 =	sshll.u32 s0, $0xA;
	s2 =	sadd.s32 s3, s2  }
0x5: {  	s2 =	sadd.s32 s2, s18  }
0x6: {  	[smem:$0x3FC6] =	sst s2  }
0x7: {  	_ = 	snop  }
0x8: {  	(tm) =	ssettm $0x1  }
0x9: {  	s19 =	sld [smem:$0x3FFB];
	_ =	sdelay $0x3  }
0xa: {  	_ =	strace s19  }
0xb: {  	s2 =	sld [smem:$0x3FFC];
	_ =	sdelay $0x3  }
0xc: {  	_ =	strace s2  }
0xd: {  	s2 =	sld [smem:$0x3FFD];
	_ =	sdelay $0x3  }
0xe: {  	_ =	strace s2  }
0xf: {  	_ =	strace $0x8FFFFFFF  }
0x10: {  	s20 =	sld [smem:$0x3FDB];
	_ =	sdelay $0x1  }
0x11: {  	s21 =	simm.s32 $_scs_section_size  }
0x12: {  	s4 =	simm.s32 $_size__tile_overlayer_lowered;
	s5 =	simm.s32 $_tile_overlayer_lowered  }
0x13: {  	s6 =	simm.s32 $0x1BFF;
	s22 =	sshll.u32 s5, $0x1;
	s3 =	sadd.s32 s21, s20  }
0x14: {  	s23 =	simm.s32 $0x0;
	s4 =	sshll.u32 s4, $0x1;
	s5 =	sadd.s32 s22, s3  }
0x15: {  	[timem:s23], [sflag:s6] =	dma.local [hbm:s5], s4  }
0x16: {  	_ =	swait.ge [sflag:s6], s4  }
0x17: {  	s4 =	ssub.s32 $0x0, s4;
	[sflag:s6] =	ssyncset.done $0x0  }
0x18: {  	[sflag:s6] =	ssyncadd.s32 s4;
	_ =	sdelay $0x1  }
0x19: {  	s24 =	simm.s32 $0x1B8B  }
0x1a: {  	_ =	swait.ge [sflag:s24], $0x1  }
0x1b: {  	[sflag:s24] =	ssyncset.done $0x0  }
0x1c: {  	[sflag:s24] =	ssyncadd.s32 $0xFFFFFFFF  }
0x1d: {  	s4 =	sld [smem:$0x0]  }
0x1e: {  	s5 =	sand.u32 $0xFFFFFFFE, s1  }
0x1f: {  	p0 =	sne.s32 s1, s5  }
0x20: {  	s5 =	sshll.u32 @p0 s5, $0xE  }
0x21: {  	s5 =	sadd.s32 @p0 $0x11B8D, s5;
	s6 =	sshll.u32 @p0 s4, $0x11  }
0x22: {  	s5 =	sor.u32 @p0 s6, s5  }
0x23: {  	[sflag:s5] =	ssyncadd.remote.s32 @p0 $0x1;
	_ =	sdelay $0x1  }
0x24: {  	s5 =	simm.s32 @p0 $0x1B8D  }
0x25: {  	_ =	swait.eq @p0 [sflag:s5], $0x1  }
0x26: {  	[sflag:s5] =	ssyncadd.s32 @p0 $0xFFFFFFFF  }
0x27: {  	s6 =	sshll.u32 @!p0 s1, $0xE  }
0x28: {  	s6 =	sor.u32 @!p0 $0x4000, s6;
	s5 =	simm.s32 @!p0 $0x1B8D  }
0x29: {  	s4 =	sshll.u32 @!p0 s4, $0x11;
	s6 =	sadd.s32 @!p0 $0x11B8D, s6;
	_ =	swait.eq @!p0 [sflag:s5], $0x1  }
0x2a: {  	s4 =	sor.u32 @!p0 s4, s6;
	[sflag:s5] =	ssyncadd.s32 @!p0 $0xFFFFFFFF  }
0x2b: {  	s26 =	simm.s32 $0x1B8E;
	s25 =	sld [smem:$0x3FFE];
	[sflag:s4] =	ssyncadd.remote.s32 @!p0 $0x1  }
0x2c: {  	s27 =	simm.s32 $execute0_lowered;
	[smem:$0x3FD2] =	sst s26  }
0x2d: {  	s5 =	sshll.u32 s27, $0x1;
	_ =	strace $0x8000004F;
	[dreg:$0x1] =	wrdreg $0xFFFFFFFF  }
0x2e: {  	s28 =	simm.s32 $_size_execute0_lowered;
	s3 =	sadd.s32 s3, s5;
	[dreg:$0x0] =	wrdreg $0x0  }
0x2f: {  	s5 =	sshll.u32 s28, $0x1;
	[dreg:$0x2] =	wrdreg s3  }
0x30: {  	[dreg:$0x3] =	wrdreg s5  }
0x31: {  	[dreg:$0x4] =	wrdreg $0xC0  }
0x32: {  	_ =	task [dreg:s23], $0x5FFFF  }
0x33: {  	[dreg:$0x1] =	wrdreg $0xFFFFFFFF  }
0x34: {  	[dreg:$0x0] =	wrdreg $0x60  }
0x35: {  	[dreg:$0x2] =	wrdreg s25  }
0x36: {  	[dreg:$0x3] =	wrdreg $0xA  }
0x37: {  	_ =	task.clear_ibuf [dreg:s23], $0x4FFFF;
	_ =	strace $0x9000004F  }
0x38: {  	s29 =	simm.s32 $0xA;
	_ =	strace $0x80000051  }
0x39: {  	_ =	swait.ge [sflag:s29], $0x1  }
0x3a: {  	[sflag:s29] =	ssyncadd.s32 $0xFFFFFFFF  }
0x3b: {  	_ =	strace $0x90000051  }
0x3c: {  	_ =	sfence  }
0x3d: {  	s30 =	sld [smem:$0x0];
	_ =	sdelay $0x2  }
0x3e: {  	s31 =	sshll.u32 s1, $0xD;
	s1 =	sshrl.u32 s1, $0x2  }
0x3f: {  	s4 =	sand.u32 $0x4000, s31;
	s1 =	sadd.s32 s1, s30  }
0x40: {  	s0 =	sor.u32 s4, s0;
	s1 =	sshll.u32 s1, $0x11  }
0x41: {  	s0 =	sor.u32 s1, s0  }
0x42: {  	s0 =	sadd.s32 $0x8F2B, s0  }
0x43: {  	[sflag:s0] =	ssyncadd.remote.s32 $0x1  }
0x44: {  	_ =	sfence.sel $0xFFFF  }
0x45: {  	[dreg:$0x0] =	wrdreg $0xFFFFFFFF;
	(pc) =	sbr.abs _section_cstart, $3  }
0x46: {  	[dreg:$0x1] =	wrdreg $0xFFFFFFFF  }
0x47: {  	_ =	task.clear_ibuf [dreg:s23], $0x2FFFF;
	_ =	strace $0x9FFFFFFF  }
0x48: {  	(tm) =	ssettm $0x7FFFFFFF  }
0x49: {  	_ =	shalt  }
tec
execute0_lowered:
.L_overlay_start_1:
0x0: {  	(tag) =	ssettag $0x1  }
0x1: {  	s7 =	rddreg [dreg:$0x0]  }
0x2: {  	s0 =	stileid.u32;
	s1 =	rddreg [dreg:$0x1]  }
0x3: {  	s3 =	srdreg.scid;
	_ =	strace $0x80000050;
	s31 =	simm.s32 $0x2  }
0x4: {  	s13 =	simm.s32 $0x0;
	s14 =	simm.s32 $0x0;
	s2 =	sshll.u32 s0, $0x7  }
0x5: {  	s12 =	simm.s32 $0x0;
	s3 =	sand.u32 $0x1, s3;
	s4 =	ssub.s32 $0x800, s2  }
0x6: {  	s6 =	ssub.s32 $0xC8, s3;
	s10 =	smov.u32 s3;
	s5 =	sand.u32 $0x780, s4  }
0x7: {  	s8 =	sshrl.u32 s4, $0xB;
	p0 =	sne.s32 s5, $0x0;
	s5 =	simm.s32 $0x1  }
.Ltmp0:
0x8: {  	s9 =	sshrl.u32 s6, $0x1;
	s5 =	simm.s32 @!p0 $0x0;
	(pc) =	sbr.rel .LBB1_1-.Ltmp0, $4  }
0x9: {  	s4 =	simm.s32 $0x1;
	s6 =	ssub.s32 s6, s9;
	s5 =	sadd.s32 s5, s8  }
0xa: {  	s11 =	smov.u32 s2;
	[sflag:s4] =	ssyncpa.u1 $0x0;
	s5 =	smul.u32 s6, s5  }
0xb: {  	s9 =	simm.s32 $0x4000;
	[sflag:s31] =	ssyncpa.u1 $0x0;
	p0 =	por $0x0, $0x0  }
0xc: {  	s6 =	sadd.s32 $0x64DE00, s7;
	s7 =	sadd.s32 $0x321600, s7;
	s8 =	sadd.s32 $0x1, s5  }
.LBB1_4:
0xd: {  	s17 =	sshll.u32 s14, $0x3;
	s18 =	sand.u32 $0x78, s14  }
0xe: {  	s30 =	sand.u32 $0x3F00, s14;
	s13 =	sshll.u32 s13, $0xE;
	s17 =	sand.u32 $0x400, s17  }
0xf: {  	[tilespmem:s16+$0x810 ss:$0x81] =	vst.msk $0xffff, v2;
	s31 =	sand.u32 $0x7, s14;
	s17 =	sor.u32 s18, s17;
	s18 =	sadd.s32 s7, s30  }
0x10: {  	[tilespmem:s16+$0x1020 ss:$0x81] =	vst.msk $0xffff, v0;
	s14 =	sshll.u32 s31, $0x12;
	s13 =	sadd.s32 s13, s18;
	s17 =	sshrl.u32 s17, $0x3  }
0x11: {  	[tilespmem:s16+$0x0 ss:$0x81] =	vst.msk $0xffff, v1;
	s14 =	sor.u32 $0x400, s14;
	s13 =	sadd.s32 s17, s13  }
0x12: {  	[hbm4b:s13+s14] =	stream.strided.scatter [tilespmem:s15], [sflag:$0x2], $0x2000, s9, s14, $0x20;
	[tilespmem:$0x8080] =	vst v63  }
.LBB1_5:
0x13: {  	s15 =	sadd.s32 $0x2, s10  }
0x14: {  	s13 =	sadd.s32 $0x800, s11;
	s17 =	smov.u32 s11;
	p2 =	sgt.s32 s15, $0xC7  }
0x15: {  	s17 =	smov.u32 @p2 s13  }
0x16: {  	s15 =	smov.u32 @p2 s3;
	p2 =	sgt.s32 s17, $0x7FF  }
0x17: {  	s17 =	smov.u32 @p2 s2;
	p2 =	sne.s32 s12, s8  }
.Ltmp1:
0x18: {  	p1 =	slt.u32 s12, $0x2;
	(pc) =	sbr.rel @!p2 .LBB1_6-.Ltmp1, $4  }
0x19: {  	s16 =	simm.s32 @!p1 $0x2  }
0x1a: {  	s14 =	smov.u32 s11;
	p0 =	por !p0, !p0;
	_ =	swait.ge @!p1 [sflag:s16], $0x2000  }
0x1b: {  	s13 =	smov.u32 s10;
	[sflag:s16] =	ssyncset.done @!p1 $0x0;
	s10 =	smov.u32 s15  }
0x1c: {  	s12 =	sadd.s32 $0x1, s12;
	[sflag:s16] =	ssyncadd.s32 @!p1 $0xFFFFE000;
	s11 =	smov.u32 s17  }
.LBB1_1:
0x1d: {  	p1 =	sge.u32 s12, s5  }
0x1e: {  	s15 =	sand.u32 @!p1 $0x1FFFFFF, s10  }
0x1f: {  	s16 =	smulhi.u32 @!p1 $0x147AE15, s15;
	_ =	sdelay $0x1  }
0x20: {  	s16 =	smul.u32 @!p1 $0xC8, s16  }
0x21: {  	s17 =	sxor.u32 @!p1 $0xFFFFFFFF, s12;
	s18 =	smul.u32 @!p1 $0xC80, s11  }
0x22: {  	s31 =	sadd.s32 $0xFFFFFFFF, s12;
	s17 =	sshll.u32 @!p1 s17, $0xD;
	s15 =	ssub.s32 @!p1 s15, s16  }
0x23: {  	s16 =	sand.u32 @!p1 $0x2000, s17;
	s17 =	sadd.s32 @!p1 s6, s18;
	s15 =	sshll.u32 @!p1 s15, $0x4  }
0x24: {  	s18 =	simm.s32 @!p1 $0x6400;
	s15 =	sadd.s32 @!p1 s15, s17;
	s17 =	simm.s32 @!p1 $0x40  }
0x25: {  	[tilespmem:s16], [sflag:$0x1] =	stream.strided.gather @!p1 [hbm4b:s15+s17], $0x2000, s18, s17, $0x38;
	[tilespmem:$0x8080] =	vst v63  }
0x26: {  	p1 =	sge.u32 s31, s5  }
.Ltmp2:
0x27: {  	_ = 	snop;
	(pc) =	sbr.rel @p1 .LBB1_5-.Ltmp2, $1  }
0x28: {  	_ =	sdelay $0x3  }
0x29: {  	s15 =	simm.s32 $0x1  }
0x2a: {  	_ =	swait.ge [sflag:s4], $0x2000;
	s15 =	simm.s32 @!p0 $0x0  }
0x2b: {  	[sflag:s4] =	ssyncset.done $0x0;
	s16 =	sshll.u32 s15, $0xD  }
0x2c: {  	[sflag:s4] =	ssyncadd.s32 $0xFFFFE000;
	s19 =	sor.u32 $0x20, s16  }
0x2d: {  	s15 =	smul.u32 $0x8100, s15;
	v3 =	vld [tilespmem:s19+$0x10]  }
0x2e: {  	s30 =	sand.u32 $0x1, s12;
	v2 =	vld [tilespmem:s19+$0xFFFFFFF0]  }
0x2f: {  	s16 =	smul.u32 $0x8100, s30;
	s15 =	sshrl.u32 s15, $0x2;
	v0 =	vld [tilespmem:s19+$0x0]  }
0x30: {  	v1 =	vld [tilespmem:s19+$0xFFFFFFE0];
	s17 =	sor.u32 $0x4000, s15  }
0x31: {  	s31 =	sshrl.u32 s16, $0x2;
	s16 =	sadd.s32 $0x0, s17  }
0x32: {  	s18 =	simm.s32 $0x4;
	s19 =	sadd.s32 $0x40, s19;
	s15 =	sor.u32 $0x4000, s31;
	[tilespmem:s16+$0x1830 ss:$0x81] =	vst.msk $0xffff, v3  }
.LBB1_3:
0x33: {  	v3 =	vld [tilespmem:s19+$0x10];
	p1 =	sne.s32 s18, $0x1FC;
	[tilespmem:s16+$0x810 ss:$0x81] =	vst.msk $0xffff, v2;
	s20 =	smov.u32 s18;
	s18 =	sadd.s32 $0x4, s18  }
.Ltmp3:
0x34: {  	v2 =	vld [tilespmem:s19+$0xFFFFFFF0];
	[tilespmem:s16+$0x1020 ss:$0x81] =	vst.msk $0xffff, v0;
	(pc) =	sbr.rel @p1 .LBB1_3-.Ltmp3, $4  }
0x35: {  	v0 =	vld [tilespmem:s19+$0x0];
	[tilespmem:s16+$0x0 ss:$0x81] =	vst.msk $0xffff, v1  }
0x36: {  	s16 =	sshra.s32 s20, $0x2;
	v1 =	vld [tilespmem:s19+$0xFFFFFFE0]  }
0x37: {  	s16 =	sadd.s32 s16, s17  }
0x38: {  	s19 =	sadd.s32 $0x40, s19;
	[tilespmem:s16+$0x1830 ss:$0x81] =	vst.msk $0xffff, v3  }
.Ltmp4:
0x39: {  	_ = 	snop;
	(pc) =	sbr.rel .LBB1_4-.Ltmp4, $1  }
0x3a: {  	_ =	sdelay $0x3  }
.LBB1_6:
0x3b: {  	_ =	sfence.sel $0x180000  }
0x3c: {  	s2 =	simm.s32 $0x1;
	[bflag:$0x0] =	sbarrier.arrive $0xFFFF  }
0x3d: {  	s31 =	simm.s32 $0x2;
	[sflag:s2] =	ssyncpa.u1 $0x1  }
0x3e: {  	[sflag:s31] =	ssyncpa.u1 $0x1  }
0x3f: {  	p0 =	sne.s32 s0, $0x0;
	_ =	strace $0x90000050  }
0x40: {  	s0 =	sadd.s32 @!p0 $0x100000, s1;
	[bflag:$0x2] =	sbarrier.arrive $0xFFFF  }
0x41: {  	[sflag:s0] =	ssyncadd.tile.s32 @!p0 $0x1;
	_ =	shalt  }
.Lfunc_end1:
_tile_overlayer_lowered:
.L_overlay_start_2:
0x42: {  	(tag) =	ssettag $0x2  }
0x43: {  	s0 =	rddreg [dreg:$0x0];
	s2 =	stileid.u32  }
0x44: {  	s1 =	rddreg [dreg:$0x1];
	p0 =	sne.s32 s2, $0x0  }
0x45: {  	s3 =	rddreg [dreg:$0x2];
	[bflag:$0x3] =	sbarrier.arrive $0xFFFF;
	s2 =	simm.s32 @!p0 $0x1C01  }
0x46: {  	[timem:s3], [sflag:s2] =	dma.local @!p0 [hbm:s0], s1  }
0x47: {  	s0 =	simm.s32 @!p0 $0x1  }
0x48: {  	_ =	swait.ge @!p0 [sflag:s0], s1  }
0x49: {  	s1 =	ssub.s32 @!p0 $0x0, s1;
	[sflag:s0] =	ssyncset.done @!p0 $0x0  }
0x4a: {  	[sflag:s0] =	ssyncadd.s32 @!p0 s1  }
0x4b: {  	[bflag:$0x3] =	sbarrier.arrive $0xFFFF  }
0x4c: {  	_ =	shalt  }

</sc_bundles>
